<compile_context>
chip_gen: v7x
topology: tpu7x:2x2x1
jax: 0.10.2.dev20260603
libtpu: 0.0.44.dev20260713+nightly
codegen_flags: <defaults>
</compile_context>

<pallas_src>
import jax
import jax.numpy as jnp
from jax import lax
from jax.experimental import pallas as pl
from jax.experimental.pallas import tpu as pltpu
from jax.experimental.pallas import tpu_sc as plsc

_L = 128
_H = 8
_U = 25
_NL = 16
_NC = _L // _NL

_NEG = -3.0e38
_POS = 3.0e38

_IDX_K = (11, 16, 17, 21, 23, 26, 28, 30, 53, 55, 60, 69, 70, 77,
          85, 91, 96, 100, 103, 104, 109, 110, 114, 116)
_DUP_IDX = 60


def _sc_body(q_hbm, k_hbm, v_hbm, out_hbm, qv, kv, vv, ov, sem):
    cid = lax.axis_index("c")
    sid = lax.axis_index("s")
    h = cid * 8 + sid

    @pl.when(sid < 8)
    def _work():
        cq = pltpu.async_copy(q_hbm.at[h], qv, sem)
        ck = pltpu.async_copy(k_hbm.at[h], kv, sem)
        cv = pltpu.async_copy(v_hbm.at[h], vv, sem)
        ck.wait()
        cq.wait()
        cv.wait()

        iota = lax.broadcasted_iota(jnp.int32, (_NL,), 0)

        ssum = jnp.float32(0.0)
        smax = jnp.float32(_NEG)
        smin = jnp.float32(_POS)
        for c in range(_NC):
            in_chunk = [i - c * _NL for i in _IDX_K
                        if c * _NL <= i < (c + 1) * _NL]
            if not in_chunk:
                continue
            kc = kv[pl.ds(c * _NL, _NL)]
            mem = iota == in_chunk[0]
            for loc in in_chunk[1:]:
                mem = mem | (iota == loc)
            cnt = mem.astype(jnp.float32)
            if c * _NL <= _DUP_IDX < (c + 1) * _NL:
                cnt = cnt + (iota == (_DUP_IDX - c * _NL)).astype(jnp.float32)
            ssum = ssum + jnp.sum(kc * cnt)
            smax = jnp.maximum(smax, jnp.max(jnp.where(mem, kc, _NEG)))
            smin = jnp.minimum(smin, jnp.min(jnp.where(mem, kc, _POS)))
        a = smax - ssum * (1.0 / _L)
        b = smin - ssum * (1.0 / _L)

        ms = []
        for c in range(_NC):
            qc = qv[pl.ds(c * _NL, _NL)]
            ms.append(jnp.where(qc >= 0.0, qc * a, qc * b))

        thi = jnp.full((_NL,), _NEG, jnp.float32)
        tlo = jnp.full((_NL,), _NEG, jnp.float32)
        for c in range(_NC):
            s = jnp.sort(ms[c])
            rs = jnp.flip(s, 0)
            hi2 = jnp.sort(jnp.maximum(thi, rs))
            lo1 = jnp.sort(jnp.minimum(thi, rs))
            tlo = jnp.sort(jnp.maximum(tlo, jnp.flip(lo1, 0)))
            thi = hi2
        thr = jnp.max(jnp.where(iota == 7, tlo, _NEG))

        ngt = jnp.float32(0.0)
        for c in range(_NC):
            ngt = ngt + jnp.sum((ms[c] > thr).astype(jnp.float32))
        quota = jnp.float32(_U) - ngt

        carry = jnp.float32(0.0)
        eqoff = jnp.float32(0.0)
        for c in range(_NC):
            vc = vv[pl.ds(c * _NL, _NL)]
            pc = jnp.cumsum(vc) + carry
            carry = carry + jnp.sum(vc)
            n = (iota + (c * _NL + 1)).astype(jnp.float32)
            eqf = (ms[c] == thr).astype(jnp.float32)
            incl = jnp.cumsum(eqf)
            ex = incl - eqf + eqoff
            eqoff = eqoff + jnp.max(incl)
            sel = (ms[c] > thr) | ((eqf > 0.0) & (ex < quota))
            ov[pl.ds(c * _NL, _NL)] = jnp.where(sel, pc / n, vc)

        pltpu.sync_copy(ov, out_hbm.at[h])


def kernel(queries, keys, values):
    q = queries.reshape(_H, _L)
    k = keys.reshape(_H, _L)
    v = values.reshape(_H, _L)

    mesh = plsc.VectorSubcoreMesh(core_axis_name="c", subcore_axis_name="s",
                                  num_cores=1, num_subcores=8)
    run = pl.kernel(
        _sc_body,
        out_type=jax.ShapeDtypeStruct((_H, _L), jnp.float32),
        mesh=mesh,
        compiler_params=pltpu.CompilerParams(needs_layout_passes=False),
        scratch_types=[
            pltpu.VMEM((_L,), jnp.float32),
            pltpu.VMEM((_L,), jnp.float32),
            pltpu.VMEM((_L,), jnp.float32),
            pltpu.VMEM((_L,), jnp.float32),
            pltpu.SemaphoreType.DMA,
        ],
    )
    out = run(q, k, v)
    return out.reshape(1, _H, _L, 1)

# --- scband reference (transcript-rebuilt; emitter-appended) ---
"""Pipeline reference for scband-prob-attention-197568496200 (READ-ONLY COPY).

The authoritative reference and input builder live on the scoring server;
editing this copy changes nothing except your own understanding.
"""

import jax, jax.numpy as jnp
import numpy as np
import math
from math import sqrt


def setup_inputs(seed: int = 0):
    key = jax.random.key(seed)
    kq, kk, kv = jax.random.split(key, 3)
    B, L, H, D = 1, 128, 8, 1
    queries = jax.random.normal(kq, (B, L, H, D), dtype=jnp.float32)
    keys = jax.random.normal(kk, (B, L, H, D), dtype=jnp.float32)
    values = jax.random.normal(kv, (B, L, H, D), dtype=jnp.float32)
    return {"queries": queries, "keys": keys, "values": values}


def _forward(queries, keys, values):
    factor = 5
    B, L, H, D = queries.shape
    S = keys.shape[1]
    D = 1
    q = jnp.reshape(queries, (B, H, L, -1))
    k = jnp.reshape(keys, (B, H, S, -1))
    v = jnp.reshape(values, (B, H, S, -1))
    U = factor * int(np.ceil(np.log(S)))
    u = factor * int(np.ceil(np.log(L)))
    # _prob_QK
    Bk, Hk, Lk, E = k.shape
    Sq = q.shape[2]
    E = 1
    K_expand = jnp.broadcast_to(k[:, :, None, :, :], (Bk, Hk, Sq, Lk, E))
    rk1, rk2 = jax.random.split(jax.random.key(1))
    indx_q_seq = jax.random.randint(rk1, (Sq,), 0, Lk)
    indx_k_seq = jax.random.randint(rk2, (u,), 0, Lk)
    K_sample = jnp.take(K_expand, jnp.arange(Sq), axis=2)
    K_sample = jnp.take(K_sample, indx_q_seq, axis=2)
    K_sample = jnp.take(K_sample, indx_k_seq, axis=3)
    Q_K_sample = jnp.squeeze(jnp.matmul(q[:, :, :, None, :], jnp.swapaxes(K_sample, -1, -2)))
    M = jnp.max(Q_K_sample, axis=-1) - jnp.sum(Q_K_sample, axis=-1) / Lk
    _, M_top = jax.lax.top_k(M, U)
    batch_indexes = jnp.tile(jnp.arange(B)[:, None, None], (1, H, U))
    head_indexes = jnp.tile(jnp.arange(H)[None, :, None], (B, 1, U))
    M_top = jnp.reshape(M_top, (1, 8, 25))
    Q_reduce = q[batch_indexes, head_indexes, M_top]
    scores_top = jnp.matmul(Q_reduce, jnp.transpose(k, (0, 1, 3, 2)))
    index = M_top
    scale = 1.0 / sqrt(D)
    scores_top = scores_top * scale
    # _get_initial_context (mask_flag=True path)
    V = jnp.reshape(v, (B, H, S, 1))
    context = jnp.cumsum(V, axis=-1)
    # _update_context with ProbMask
    Sfull = scores_top.shape[-1]
    _mask = jnp.triu(jnp.ones((L, Sfull), dtype=jnp.float32), k=1)
    _mask_ex = jnp.broadcast_to(_mask, (B, H, L, Sfull))
    indicator = _mask_ex[jnp.arange(B)[:, None, None], jnp.arange(H)[None, :, None], index, :]
    mask = jnp.reshape(indicator, scores_top.shape)
    num = 3.4 * math.pow(10, 38)
    scores_top = scores_top * mask + -(mask * num + num - num)
    attn = jax.nn.softmax(scores_top, axis=-1)
    bi = jnp.tile(jnp.arange(B)[:, None, None], (1, H, index.shape[-1]))
    hi = jnp.tile(jnp.arange(H)[None, :, None], (B, 1, index.shape[-1]))
    update = jnp.matmul(attn, V)
    context = context.at[bi, hi, index].set(update)
    return context


def reference(queries, keys, values):
    return _forward(queries, keys, values)

if __name__ == "__main__":
    import jax
    _d = setup_inputs()
    print(jax.jit(kernel)(*tuple(_d.values())))

</pallas_src>

<mosaic_0001>
#map = affine_map<(d0, d1) -> (0, 0)>
module attributes {stable_mosaic.version = 14 : i64} {
  func.func @_sc_body(%arg0: i32, %arg1: i32, %arg2: memref<8x128xf32, #tpu.memory_space<hbm>>, %arg3: memref<8x128xf32, #tpu.memory_space<hbm>>, %arg4: memref<8x128xf32, #tpu.memory_space<hbm>>, %arg5: memref<8x128xf32, #tpu.memory_space<hbm>>, %arg6: memref<128xf32, #tpu.memory_space<vmem>>, %arg7: memref<128xf32, #tpu.memory_space<vmem>>, %arg8: memref<128xf32, #tpu.memory_space<vmem>>, %arg9: memref<128xf32, #tpu.memory_space<vmem>>, %arg10: memref<!tpu.dma_semaphore, #tpu.memory_space<semaphore_mem>>) attributes {dimension_semantics = [#tpu.dimension_semantics<core_parallel>, #tpu.dimension_semantics<subcore_parallel>], iteration_bounds = array<i64: 1, 8>, scalar_prefetch = 0 : i64, scratch_operands = 5 : i64, tpu.core_type = #tpu.core_type<sc_vector_subcore>, window_params = [{transform_indices = #map}, {transform_indices = #map}, {transform_indices = #map}, {transform_indices = #map}]} {
    %mul3A = arith.constant 8 : i32
    %mul3A_0 = arith.muli %arg0, %mul3A : i32
    %add3A = arith.addi %mul3A_0, %arg1 : i32
    %lt3A = arith.constant 8 : i32
    %lt3A_1 = arith.cmpi slt, %arg1, %lt3A : i32
    %convert_element_type3A = arith.extui %lt3A_1 : i1 to i32
    %cond3A = arith.constant 0 : i32
    %cond3A_2 = arith.cmpi ne, %convert_element_type3A, %cond3A : i32
    scf.if %cond3A_2 {
      %dma_start3A = arith.constant 0 : i32
      %dma_start3A_3 = tpu.memref_slice %arg2[%add3A, %dma_start3A] : memref<8x128xf32, #tpu.memory_space<hbm>> -> memref<1x128xf32, #tpu.memory_space<hbm>>
      %dma_start3A_4 = tpu.memref_squeeze %dma_start3A_3 : memref<1x128xf32, #tpu.memory_space<hbm>> -> memref<128xf32, #tpu.memory_space<hbm>>
      %dma_start3A_5 = arith.constant 0 : i32
      %dma_start3A_6 = tpu.memref_slice %arg2[%add3A, %dma_start3A_5] : memref<8x128xf32, #tpu.memory_space<hbm>> -> memref<1x128xf32, #tpu.memory_space<hbm>>
      %dma_start3A_7 = tpu.memref_squeeze %dma_start3A_6 : memref<1x128xf32, #tpu.memory_space<hbm>> -> memref<128xf32, #tpu.memory_space<hbm>>
      tpu.enqueue_dma source(%dma_start3A_7 : memref<128xf32, #tpu.memory_space<hbm>>) target(%arg6 : memref<128xf32, #tpu.memory_space<vmem>>) target_semaphore(%arg10 : memref<!tpu.dma_semaphore, #tpu.memory_space<semaphore_mem>>)
      %dma_start3A_8 = arith.constant 0 : i32
      %dma_start3A_9 = tpu.memref_slice %arg3[%add3A, %dma_start3A_8] : memref<8x128xf32, #tpu.memory_space<hbm>> -> memref<1x128xf32, #tpu.memory_space<hbm>>
      %dma_start3A_10 = tpu.memref_squeeze %dma_start3A_9 : memref<1x128xf32, #tpu.memory_space<hbm>> -> memref<128xf32, #tpu.memory_space<hbm>>
      %dma_start3A_11 = arith.constant 0 : i32
      %dma_start3A_12 = tpu.memref_slice %arg3[%add3A, %dma_start3A_11] : memref<8x128xf32, #tpu.memory_space<hbm>> -> memref<1x128xf32, #tpu.memory_space<hbm>>
      %dma_start3A_13 = tpu.memref_squeeze %dma_start3A_12 : memref<1x128xf32, #tpu.memory_space<hbm>> -> memref<128xf32, #tpu.memory_space<hbm>>
      tpu.enqueue_dma source(%dma_start3A_13 : memref<128xf32, #tpu.memory_space<hbm>>) target(%arg7 : memref<128xf32, #tpu.memory_space<vmem>>) target_semaphore(%arg10 : memref<!tpu.dma_semaphore, #tpu.memory_space<semaphore_mem>>)
      %dma_start3A_14 = arith.constant 0 : i32
      %dma_start3A_15 = tpu.memref_slice %arg4[%add3A, %dma_start3A_14] : memref<8x128xf32, #tpu.memory_space<hbm>> -> memref<1x128xf32, #tpu.memory_space<hbm>>
      %dma_start3A_16 = tpu.memref_squeeze %dma_start3A_15 : memref<1x128xf32, #tpu.memory_space<hbm>> -> memref<128xf32, #tpu.memory_space<hbm>>
      %dma_start3A_17 = arith.constant 0 : i32
      %dma_start3A_18 = tpu.memref_slice %arg4[%add3A, %dma_start3A_17] : memref<8x128xf32, #tpu.memory_space<hbm>> -> memref<1x128xf32, #tpu.memory_space<hbm>>
      %dma_start3A_19 = tpu.memref_squeeze %dma_start3A_18 : memref<1x128xf32, #tpu.memory_space<hbm>> -> memref<128xf32, #tpu.memory_space<hbm>>
      tpu.enqueue_dma source(%dma_start3A_19 : memref<128xf32, #tpu.memory_space<hbm>>) target(%arg8 : memref<128xf32, #tpu.memory_space<vmem>>) target_semaphore(%arg10 : memref<!tpu.dma_semaphore, #tpu.memory_space<semaphore_mem>>)
      %dma_wait3A = arith.constant 0 : i32
      %dma_wait3A_20 = tpu.memref_slice %arg3[%add3A, %dma_wait3A] : memref<8x128xf32, #tpu.memory_space<hbm>> -> memref<1x128xf32, #tpu.memory_space<hbm>>
      %dma_wait3A_21 = tpu.memref_squeeze %dma_wait3A_20 : memref<1x128xf32, #tpu.memory_space<hbm>> -> memref<128xf32, #tpu.memory_space<hbm>>
      %dma_wait3A_22 = arith.constant 0 : i32
      %dma_wait3A_23 = tpu.memref_slice %arg3[%add3A, %dma_wait3A_22] : memref<8x128xf32, #tpu.memory_space<hbm>> -> memref<1x128xf32, #tpu.memory_space<hbm>>
      %dma_wait3A_24 = tpu.memref_squeeze %dma_wait3A_23 : memref<1x128xf32, #tpu.memory_space<hbm>> -> memref<128xf32, #tpu.memory_space<hbm>>
      tpu.wait_dma2 semaphore(%arg10 : memref<!tpu.dma_semaphore, #tpu.memory_space<semaphore_mem>>) src(%dma_wait3A_24 : memref<128xf32, #tpu.memory_space<hbm>>) dst(%arg7 : memref<128xf32, #tpu.memory_space<vmem>>)
      %dma_wait3A_25 = arith.constant 0 : i32
      %dma_wait3A_26 = tpu.memref_slice %arg2[%add3A, %dma_wait3A_25] : memref<8x128xf32, #tpu.memory_space<hbm>> -> memref<1x128xf32, #tpu.memory_space<hbm>>
      %dma_wait3A_27 = tpu.memref_squeeze %dma_wait3A_26 : memref<1x128xf32, #tpu.memory_space<hbm>> -> memref<128xf32, #tpu.memory_space<hbm>>
      %dma_wait3A_28 = arith.constant 0 : i32
      %dma_wait3A_29 = tpu.memref_slice %arg2[%add3A, %dma_wait3A_28] : memref<8x128xf32, #tpu.memory_space<hbm>> -> memref<1x128xf32, #tpu.memory_space<hbm>>
      %dma_wait3A_30 = tpu.memref_squeeze %dma_wait3A_29 : memref<1x128xf32, #tpu.memory_space<hbm>> -> memref<128xf32, #tpu.memory_space<hbm>>
      tpu.wait_dma2 semaphore(%arg10 : memref<!tpu.dma_semaphore, #tpu.memory_space<semaphore_mem>>) src(%dma_wait3A_30 : memref<128xf32, #tpu.memory_space<hbm>>) dst(%arg6 : memref<128xf32, #tpu.memory_space<vmem>>)
      %dma_wait3A_31 = arith.constant 0 : i32
      %dma_wait3A_32 = tpu.memref_slice %arg4[%add3A, %dma_wait3A_31] : memref<8x128xf32, #tpu.memory_space<hbm>> -> memref<1x128xf32, #tpu.memory_space<hbm>>
      %dma_wait3A_33 = tpu.memref_squeeze %dma_wait3A_32 : memref<1x128xf32, #tpu.memory_space<hbm>> -> memref<128xf32, #tpu.memory_space<hbm>>
      %dma_wait3A_34 = arith.constant 0 : i32
      %dma_wait3A_35 = tpu.memref_slice %arg4[%add3A, %dma_wait3A_34] : memref<8x128xf32, #tpu.memory_space<hbm>> -> memref<1x128xf32, #tpu.memory_space<hbm>>
      %dma_wait3A_36 = tpu.memref_squeeze %dma_wait3A_35 : memref<1x128xf32, #tpu.memory_space<hbm>> -> memref<128xf32, #tpu.memory_space<hbm>>
      tpu.wait_dma2 semaphore(%arg10 : memref<!tpu.dma_semaphore, #tpu.memory_space<semaphore_mem>>) src(%dma_wait3A_36 : memref<128xf32, #tpu.memory_space<hbm>>) dst(%arg8 : memref<128xf32, #tpu.memory_space<vmem>>)
      %iota3A = tpu.iota {dimensions = array<i32: 0>} : vector<16xi32>
      %get3A = arith.constant 0 : index
      %get3A_37 = tpu.vector_load %arg7[%get3A] {strides = array<i32>} : memref<128xf32, #tpu.memory_space<vmem>>, vector<16xf32>,
      %eq3A = arith.constant 11 : i32
      %eq3A_38 = vector.broadcast %eq3A : i32 to vector<16xi32>
      %eq3A_39 = arith.cmpi eq, %iota3A, %eq3A_38 : vector<16xi32>
      %convert_element_type3A_40 = arith.extui %eq3A_39 : vector<16xi1> to vector<16xi32>
      %convert_element_type3A_41 = arith.sitofp %convert_element_type3A_40 : vector<16xi32> to vector<16xf32>
      %mul3A_42 = arith.mulf %get3A_37, %convert_element_type3A_41 : vector<16xf32>
      %reduce_sum3A = arith.constant true
      %reduce_sum3A_43 = vector.broadcast %reduce_sum3A : i1 to vector<16xi1>
      %reduce_sum3A_44 = tpu.scan <sum>, %mul3A_42 masked %reduce_sum3A_43 : vector<16xf32>, vector<16xi1> -> vector<16xf32>
      %reduce_sum3A_45 = vector.extract %reduce_sum3A_44[15] : f32 from vector<16xf32>
      %add3A_46 = arith.constant 0.000000e+00 : f32
      %add3A_47 = arith.addf %add3A_46, %reduce_sum3A_45 : f32
      %jit3A = arith.constant -3.000000e+38 : f32
      %broadcast_in_dim3A = vector.broadcast %jit3A : f32 to vector<16xf32>
      %select_n3A = arith.select %eq3A_39, %get3A_37, %broadcast_in_dim3A : vector<16xi1>, vector<16xf32>
      %reduce_max3A = arith.constant true
      %reduce_max3A_48 = vector.broadcast %reduce_max3A : i1 to vector<16xi1>
      %reduce_max3A_49 = tpu.scan <max>, %select_n3A masked %reduce_max3A_48 : vector<16xf32>, vector<16xi1> -> vector<16xf32>
      %reduce_max3A_50 = vector.extract %reduce_max3A_49[15] : f32 from vector<16xf32>
      %max3A = arith.constant -3.000000e+38 : f32
      %max3A_51 = arith.maximumf %max3A, %reduce_max3A_50 : f32
      %jit3A_52 = arith.constant 3.000000e+38 : f32
      %broadcast_in_dim3A_53 = vector.broadcast %jit3A_52 : f32 to vector<16xf32>
      %select_n3A_54 = arith.select %eq3A_39, %get3A_37, %broadcast_in_dim3A_53 : vector<16xi1>, vector<16xf32>
      %reduce_min3A = arith.constant true
      %reduce_min3A_55 = vector.broadcast %reduce_min3A : i1 to vector<16xi1>
      %reduce_min3A_56 = tpu.scan <min>, %select_n3A_54 masked %reduce_min3A_55 : vector<16xf32>, vector<16xi1> -> vector<16xf32>
      %reduce_min3A_57 = vector.extract %reduce_min3A_56[15] : f32 from vector<16xf32>
      %min3A = arith.constant 3.000000e+38 : f32
      %min3A_58 = arith.minimumf %min3A, %reduce_min3A_57 : f32
      %get3A_59 = arith.constant 16 : index
      %get3A_60 = tpu.vector_load %arg7[%get3A_59] {strides = array<i32>} : memref<128xf32, #tpu.memory_space<vmem>>, vector<16xf32>,
      %eq3A_61 = arith.constant 0 : i32
      %eq3A_62 = vector.broadcast %eq3A_61 : i32 to vector<16xi32>
      %eq3A_63 = arith.cmpi eq, %iota3A, %eq3A_62 : vector<16xi32>
      %eq3A_64 = arith.constant 1 : i32
      %eq3A_65 = vector.broadcast %eq3A_64 : i32 to vector<16xi32>
      %eq3A_66 = arith.cmpi eq, %iota3A, %eq3A_65 : vector<16xi32>
      %or3A = arith.ori %eq3A_63, %eq3A_66 : vector<16xi1>
      %eq3A_67 = arith.constant 5 : i32
      %eq3A_68 = vector.broadcast %eq3A_67 : i32 to vector<16xi32>
      %eq3A_69 = arith.cmpi eq, %iota3A, %eq3A_68 : vector<16xi32>
      %or3A_70 = arith.ori %or3A, %eq3A_69 : vector<16xi1>
      %eq3A_71 = arith.constant 7 : i32
      %eq3A_72 = vector.broadcast %eq3A_71 : i32 to vector<16xi32>
      %eq3A_73 = arith.cmpi eq, %iota3A, %eq3A_72 : vector<16xi32>
      %or3A_74 = arith.ori %or3A_70, %eq3A_73 : vector<16xi1>
      %eq3A_75 = arith.constant 10 : i32
      %eq3A_76 = vector.broadcast %eq3A_75 : i32 to vector<16xi32>
      %eq3A_77 = arith.cmpi eq, %iota3A, %eq3A_76 : vector<16xi32>
      %or3A_78 = arith.ori %or3A_74, %eq3A_77 : vector<16xi1>
      %eq3A_79 = arith.constant 12 : i32
      %eq3A_80 = vector.broadcast %eq3A_79 : i32 to vector<16xi32>
      %eq3A_81 = arith.cmpi eq, %iota3A, %eq3A_80 : vector<16xi32>
      %or3A_82 = arith.ori %or3A_78, %eq3A_81 : vector<16xi1>
      %eq3A_83 = arith.constant 14 : i32
      %eq3A_84 = vector.broadcast %eq3A_83 : i32 to vector<16xi32>
      %eq3A_85 = arith.cmpi eq, %iota3A, %eq3A_84 : vector<16xi32>
      %or3A_86 = arith.ori %or3A_82, %eq3A_85 : vector<16xi1>
      %convert_element_type3A_87 = arith.extui %or3A_86 : vector<16xi1> to vector<16xi32>
      %convert_element_type3A_88 = arith.sitofp %convert_element_type3A_87 : vector<16xi32> to vector<16xf32>
      %mul3A_89 = arith.mulf %get3A_60, %convert_element_type3A_88 : vector<16xf32>
      %reduce_sum3A_90 = arith.constant true
      %reduce_sum3A_91 = vector.broadcast %reduce_sum3A_90 : i1 to vector<16xi1>
      %reduce_sum3A_92 = tpu.scan <sum>, %mul3A_89 masked %reduce_sum3A_91 : vector<16xf32>, vector<16xi1> -> vector<16xf32>
      %reduce_sum3A_93 = vector.extract %reduce_sum3A_92[15] : f32 from vector<16xf32>
      %add3A_94 = arith.addf %add3A_47, %reduce_sum3A_93 : f32
      %jit3A_95 = arith.constant -3.000000e+38 : f32
      %broadcast_in_dim3A_96 = vector.broadcast %jit3A_95 : f32 to vector<16xf32>
      %select_n3A_97 = arith.select %or3A_86, %get3A_60, %broadcast_in_dim3A_96 : vector<16xi1>, vector<16xf32>
      %reduce_max3A_98 = arith.constant true
      %reduce_max3A_99 = vector.broadcast %reduce_max3A_98 : i1 to vector<16xi1>
      %reduce_max3A_100 = tpu.scan <max>, %select_n3A_97 masked %reduce_max3A_99 : vector<16xf32>, vector<16xi1> -> vector<16xf32>
      %reduce_max3A_101 = vector.extract %reduce_max3A_100[15] : f32 from vector<16xf32>
      %max3A_102 = arith.maximumf %max3A_51, %reduce_max3A_101 : f32
      %jit3A_103 = arith.constant 3.000000e+38 : f32
      %broadcast_in_dim3A_104 = vector.broadcast %jit3A_103 : f32 to vector<16xf32>
      %select_n3A_105 = arith.select %or3A_86, %get3A_60, %broadcast_in_dim3A_104 : vector<16xi1>, vector<16xf32>
      %reduce_min3A_106 = arith.constant true
      %reduce_min3A_107 = vector.broadcast %reduce_min3A_106 : i1 to vector<16xi1>
      %reduce_min3A_108 = tpu.scan <min>, %select_n3A_105 masked %reduce_min3A_107 : vector<16xf32>, vector<16xi1> -> vector<16xf32>
      %reduce_min3A_109 = vector.extract %reduce_min3A_108[15] : f32 from vector<16xf32>
      %min3A_110 = arith.minimumf %min3A_58, %reduce_min3A_109 : f32
      %get3A_111 = arith.constant 48 : index
      %get3A_112 = tpu.vector_load %arg7[%get3A_111] {strides = array<i32>} : memref<128xf32, #tpu.memory_space<vmem>>, vector<16xf32>,
      %eq3A_113 = arith.constant 5 : i32
      %eq3A_114 = vector.broadcast %eq3A_113 : i32 to vector<16xi32>
      %eq3A_115 = arith.cmpi eq, %iota3A, %eq3A_114 : vector<16xi32>
      %eq3A_116 = arith.constant 7 : i32
      %eq3A_117 = vector.broadcast %eq3A_116 : i32 to vector<16xi32>
      %eq3A_118 = arith.cmpi eq, %iota3A, %eq3A_117 : vector<16xi32>
      %or3A_119 = arith.ori %eq3A_115, %eq3A_118 : vector<16xi1>
      %eq3A_120 = arith.constant 12 : i32
      %eq3A_121 = vector.broadcast %eq3A_120 : i32 to vector<16xi32>
      %eq3A_122 = arith.cmpi eq, %iota3A, %eq3A_121 : vector<16xi32>
      %or3A_123 = arith.ori %or3A_119, %eq3A_122 : vector<16xi1>
      %convert_element_type3A_124 = arith.extui %or3A_123 : vector<16xi1> to vector<16xi32>
      %convert_element_type3A_125 = arith.sitofp %convert_element_type3A_124 : vector<16xi32> to vector<16xf32>
      %eq3A_126 = arith.constant 12 : i32
      %eq3A_127 = vector.broadcast %eq3A_126 : i32 to vector<16xi32>
      %eq3A_128 = arith.cmpi eq, %iota3A, %eq3A_127 : vector<16xi32>
      %convert_element_type3A_129 = arith.extui %eq3A_128 : vector<16xi1> to vector<16xi32>
      %convert_element_type3A_130 = arith.sitofp %convert_element_type3A_129 : vector<16xi32> to vector<16xf32>
      %add3A_131 = arith.addf %convert_element_type3A_125, %convert_element_type3A_130 : vector<16xf32>
      %mul3A_132 = arith.mulf %get3A_112, %add3A_131 : vector<16xf32>
      %reduce_sum3A_133 = arith.constant true
      %reduce_sum3A_134 = vector.broadcast %reduce_sum3A_133 : i1 to vector<16xi1>
      %reduce_sum3A_135 = tpu.scan <sum>, %mul3A_132 masked %reduce_sum3A_134 : vector<16xf32>, vector<16xi1> -> vector<16xf32>
      %reduce_sum3A_136 = vector.extract %reduce_sum3A_135[15] : f32 from vector<16xf32>
      %add3A_137 = arith.addf %add3A_94, %reduce_sum3A_136 : f32
      %jit3A_138 = arith.constant -3.000000e+38 : f32
      %broadcast_in_dim3A_139 = vector.broadcast %jit3A_138 : f32 to vector<16xf32>
      %select_n3A_140 = arith.select %or3A_123, %get3A_112, %broadcast_in_dim3A_139 : vector<16xi1>, vector<16xf32>
      %reduce_max3A_141 = arith.constant true
      %reduce_max3A_142 = vector.broadcast %reduce_max3A_141 : i1 to vector<16xi1>
      %reduce_max3A_143 = tpu.scan <max>, %select_n3A_140 masked %reduce_max3A_142 : vector<16xf32>, vector<16xi1> -> vector<16xf32>
      %reduce_max3A_144 = vector.extract %reduce_max3A_143[15] : f32 from vector<16xf32>
      %max3A_145 = arith.maximumf %max3A_102, %reduce_max3A_144 : f32
      %jit3A_146 = arith.constant 3.000000e+38 : f32
      %broadcast_in_dim3A_147 = vector.broadcast %jit3A_146 : f32 to vector<16xf32>
      %select_n3A_148 = arith.select %or3A_123, %get3A_112, %broadcast_in_dim3A_147 : vector<16xi1>, vector<16xf32>
      %reduce_min3A_149 = arith.constant true
      %reduce_min3A_150 = vector.broadcast %reduce_min3A_149 : i1 to vector<16xi1>
      %reduce_min3A_151 = tpu.scan <min>, %select_n3A_148 masked %reduce_min3A_150 : vector<16xf32>, vector<16xi1> -> vector<16xf32>
      %reduce_min3A_152 = vector.extract %reduce_min3A_151[15] : f32 from vector<16xf32>
      %min3A_153 = arith.minimumf %min3A_110, %reduce_min3A_152 : f32
      %get3A_154 = arith.constant 64 : index
      %get3A_155 = tpu.vector_load %arg7[%get3A_154] {strides = array<i32>} : memref<128xf32, #tpu.memory_space<vmem>>, vector<16xf32>,
      %eq3A_156 = arith.constant 5 : i32
      %eq3A_157 = vector.broadcast %eq3A_156 : i32 to vector<16xi32>
      %eq3A_158 = arith.cmpi eq, %iota3A, %eq3A_157 : vector<16xi32>
      %eq3A_159 = arith.constant 6 : i32
      %eq3A_160 = vector.broadcast %eq3A_159 : i32 to vector<16xi32>
      %eq3A_161 = arith.cmpi eq, %iota3A, %eq3A_160 : vector<16xi32>
      %or3A_162 = arith.ori %eq3A_158, %eq3A_161 : vector<16xi1>
      %eq3A_163 = arith.constant 13 : i32
      %eq3A_164 = vector.broadcast %eq3A_163 : i32 to vector<16xi32>
      %eq3A_165 = arith.cmpi eq, %iota3A, %eq3A_164 : vector<16xi32>
      %or3A_166 = arith.ori %or3A_162, %eq3A_165 : vector<16xi1>
      %convert_element_type3A_167 = arith.extui %or3A_166 : vector<16xi1> to vector<16xi32>
      %convert_element_type3A_168 = arith.sitofp %convert_element_type3A_167 : vector<16xi32> to vector<16xf32>
      %mul3A_169 = arith.mulf %get3A_155, %convert_element_type3A_168 : vector<16xf32>
      %reduce_sum3A_170 = arith.constant true
      %reduce_sum3A_171 = vector.broadcast %reduce_sum3A_170 : i1 to vector<16xi1>
      %reduce_sum3A_172 = tpu.scan <sum>, %mul3A_169 masked %reduce_sum3A_171 : vector<16xf32>, vector<16xi1> -> vector<16xf32>
      %reduce_sum3A_173 = vector.extract %reduce_sum3A_172[15] : f32 from vector<16xf32>
      %add3A_174 = arith.addf %add3A_137, %reduce_sum3A_173 : f32
      %jit3A_175 = arith.constant -3.000000e+38 : f32
      %broadcast_in_dim3A_176 = vector.broadcast %jit3A_175 : f32 to vector<16xf32>
      %select_n3A_177 = arith.select %or3A_166, %get3A_155, %broadcast_in_dim3A_176 : vector<16xi1>, vector<16xf32>
      %reduce_max3A_178 = arith.constant true
      %reduce_max3A_179 = vector.broadcast %reduce_max3A_178 : i1 to vector<16xi1>
      %reduce_max3A_180 = tpu.scan <max>, %select_n3A_177 masked %reduce_max3A_179 : vector<16xf32>, vector<16xi1> -> vector<16xf32>
      %reduce_max3A_181 = vector.extract %reduce_max3A_180[15] : f32 from vector<16xf32>
      %max3A_182 = arith.maximumf %max3A_145, %reduce_max3A_181 : f32
      %jit3A_183 = arith.constant 3.000000e+38 : f32
      %broadcast_in_dim3A_184 = vector.broadcast %jit3A_183 : f32 to vector<16xf32>
      %select_n3A_185 = arith.select %or3A_166, %get3A_155, %broadcast_in_dim3A_184 : vector<16xi1>, vector<16xf32>
      %reduce_min3A_186 = arith.constant true
      %reduce_min3A_187 = vector.broadcast %reduce_min3A_186 : i1 to vector<16xi1>
      %reduce_min3A_188 = tpu.scan <min>, %select_n3A_185 masked %reduce_min3A_187 : vector<16xf32>, vector<16xi1> -> vector<16xf32>
      %reduce_min3A_189 = vector.extract %reduce_min3A_188[15] : f32 from vector<16xf32>
      %min3A_190 = arith.minimumf %min3A_153, %reduce_min3A_189 : f32
      %get3A_191 = arith.constant 80 : index
      %get3A_192 = tpu.vector_load %arg7[%get3A_191] {strides = array<i32>} : memref<128xf32, #tpu.memory_space<vmem>>, vector<16xf32>,
      %eq3A_193 = arith.constant 5 : i32
      %eq3A_194 = vector.broadcast %eq3A_193 : i32 to vector<16xi32>
      %eq3A_195 = arith.cmpi eq, %iota3A, %eq3A_194 : vector<16xi32>
      %eq3A_196 = arith.constant 11 : i32
      %eq3A_197 = vector.broadcast %eq3A_196 : i32 to vector<16xi32>
      %eq3A_198 = arith.cmpi eq, %iota3A, %eq3A_197 : vector<16xi32>
      %or3A_199 = arith.ori %eq3A_195, %eq3A_198 : vector<16xi1>
      %convert_element_type3A_200 = arith.extui %or3A_199 : vector<16xi1> to vector<16xi32>
      %convert_element_type3A_201 = arith.sitofp %convert_element_type3A_200 : vector<16xi32> to vector<16xf32>
      %mul3A_202 = arith.mulf %get3A_192, %convert_element_type3A_201 : vector<16xf32>
      %reduce_sum3A_203 = arith.constant true
      %reduce_sum3A_204 = vector.broadcast %reduce_sum3A_203 : i1 to vector<16xi1>
      %reduce_sum3A_205 = tpu.scan <sum>, %mul3A_202 masked %reduce_sum3A_204 : vector<16xf32>, vector<16xi1> -> vector<16xf32>
      %reduce_sum3A_206 = vector.extract %reduce_sum3A_205[15] : f32 from vector<16xf32>
      %add3A_207 = arith.addf %add3A_174, %reduce_sum3A_206 : f32
      %jit3A_208 = arith.constant -3.000000e+38 : f32
      %broadcast_in_dim3A_209 = vector.broadcast %jit3A_208 : f32 to vector<16xf32>
      %select_n3A_210 = arith.select %or3A_199, %get3A_192, %broadcast_in_dim3A_209 : vector<16xi1>, vector<16xf32>
      %reduce_max3A_211 = arith.constant true
      %reduce_max3A_212 = vector.broadcast %reduce_max3A_211 : i1 to vector<16xi1>
      %reduce_max3A_213 = tpu.scan <max>, %select_n3A_210 masked %reduce_max3A_212 : vector<16xf32>, vector<16xi1> -> vector<16xf32>
      %reduce_max3A_214 = vector.extract %reduce_max3A_213[15] : f32 from vector<16xf32>
      %max3A_215 = arith.maximumf %max3A_182, %reduce_max3A_214 : f32
      %jit3A_216 = arith.constant 3.000000e+38 : f32
      %broadcast_in_dim3A_217 = vector.broadcast %jit3A_216 : f32 to vector<16xf32>
      %select_n3A_218 = arith.select %or3A_199, %get3A_192, %broadcast_in_dim3A_217 : vector<16xi1>, vector<16xf32>
      %reduce_min3A_219 = arith.constant true
      %reduce_min3A_220 = vector.broadcast %reduce_min3A_219 : i1 to vector<16xi1>
      %reduce_min3A_221 = tpu.scan <min>, %select_n3A_218 masked %reduce_min3A_220 : vector<16xf32>, vector<16xi1> -> vector<16xf32>
      %reduce_min3A_222 = vector.extract %reduce_min3A_221[15] : f32 from vector<16xf32>
      %min3A_223 = arith.minimumf %min3A_190, %reduce_min3A_222 : f32
      %get3A_224 = arith.constant 96 : index
      %get3A_225 = tpu.vector_load %arg7[%get3A_224] {strides = array<i32>} : memref<128xf32, #tpu.memory_space<vmem>>, vector<16xf32>,
      %eq3A_226 = arith.constant 0 : i32
      %eq3A_227 = vector.broadcast %eq3A_226 : i32 to vector<16xi32>
      %eq3A_228 = arith.cmpi eq, %iota3A, %eq3A_227 : vector<16xi32>
      %eq3A_229 = arith.constant 4 : i32
      %eq3A_230 = vector.broadcast %eq3A_229 : i32 to vector<16xi32>
      %eq3A_231 = arith.cmpi eq, %iota3A, %eq3A_230 : vector<16xi32>
      %or3A_232 = arith.ori %eq3A_228, %eq3A_231 : vector<16xi1>
      %eq3A_233 = arith.constant 7 : i32
      %eq3A_234 = vector.broadcast %eq3A_233 : i32 to vector<16xi32>
      %eq3A_235 = arith.cmpi eq, %iota3A, %eq3A_234 : vector<16xi32>
      %or3A_236 = arith.ori %or3A_232, %eq3A_235 : vector<16xi1>
      %eq3A_237 = arith.constant 8 : i32
      %eq3A_238 = vector.broadcast %eq3A_237 : i32 to vector<16xi32>
      %eq3A_239 = arith.cmpi eq, %iota3A, %eq3A_238 : vector<16xi32>
      %or3A_240 = arith.ori %or3A_236, %eq3A_239 : vector<16xi1>
      %eq3A_241 = arith.constant 13 : i32
      %eq3A_242 = vector.broadcast %eq3A_241 : i32 to vector<16xi32>
      %eq3A_243 = arith.cmpi eq, %iota3A, %eq3A_242 : vector<16xi32>
      %or3A_244 = arith.ori %or3A_240, %eq3A_243 : vector<16xi1>
      %eq3A_245 = arith.constant 14 : i32
      %eq3A_246 = vector.broadcast %eq3A_245 : i32 to vector<16xi32>
      %eq3A_247 = arith.cmpi eq, %iota3A, %eq3A_246 : vector<16xi32>
      %or3A_248 = arith.ori %or3A_244, %eq3A_247 : vector<16xi1>
      %convert_element_type3A_249 = arith.extui %or3A_248 : vector<16xi1> to vector<16xi32>
      %convert_element_type3A_250 = arith.sitofp %convert_element_type3A_249 : vector<16xi32> to vector<16xf32>
      %mul3A_251 = arith.mulf %get3A_225, %convert_element_type3A_250 : vector<16xf32>
      %reduce_sum3A_252 = arith.constant true
      %reduce_sum3A_253 = vector.broadcast %reduce_sum3A_252 : i1 to vector<16xi1>
      %reduce_sum3A_254 = tpu.scan <sum>, %mul3A_251 masked %reduce_sum3A_253 : vector<16xf32>, vector<16xi1> -> vector<16xf32>
      %reduce_sum3A_255 = vector.extract %reduce_sum3A_254[15] : f32 from vector<16xf32>
      %add3A_256 = arith.addf %add3A_207, %reduce_sum3A_255 : f32
      %jit3A_257 = arith.constant -3.000000e+38 : f32
      %broadcast_in_dim3A_258 = vector.broadcast %jit3A_257 : f32 to vector<16xf32>
      %select_n3A_259 = arith.select %or3A_248, %get3A_225, %broadcast_in_dim3A_258 : vector<16xi1>, vector<16xf32>
      %reduce_max3A_260 = arith.constant true
      %reduce_max3A_261 = vector.broadcast %reduce_max3A_260 : i1 to vector<16xi1>
      %reduce_max3A_262 = tpu.scan <max>, %select_n3A_259 masked %reduce_max3A_261 : vector<16xf32>, vector<16xi1> -> vector<16xf32>
      %reduce_max3A_263 = vector.extract %reduce_max3A_262[15] : f32 from vector<16xf32>
      %max3A_264 = arith.maximumf %max3A_215, %reduce_max3A_263 : f32
      %jit3A_265 = arith.constant 3.000000e+38 : f32
      %broadcast_in_dim3A_266 = vector.broadcast %jit3A_265 : f32 to vector<16xf32>
      %select_n3A_267 = arith.select %or3A_248, %get3A_225, %broadcast_in_dim3A_266 : vector<16xi1>, vector<16xf32>
      %reduce_min3A_268 = arith.constant true
      %reduce_min3A_269 = vector.broadcast %reduce_min3A_268 : i1 to vector<16xi1>
      %reduce_min3A_270 = tpu.scan <min>, %select_n3A_267 masked %reduce_min3A_269 : vector<16xf32>, vector<16xi1> -> vector<16xf32>
      %reduce_min3A_271 = vector.extract %reduce_min3A_270[15] : f32 from vector<16xf32>
      %min3A_272 = arith.minimumf %min3A_223, %reduce_min3A_271 : f32
      %get3A_273 = arith.constant 112 : index
      %get3A_274 = tpu.vector_load %arg7[%get3A_273] {strides = array<i32>} : memref<128xf32, #tpu.memory_space<vmem>>, vector<16xf32>,
      %eq3A_275 = arith.constant 2 : i32
      %eq3A_276 = vector.broadcast %eq3A_275 : i32 to vector<16xi32>
      %eq3A_277 = arith.cmpi eq, %iota3A, %eq3A_276 : vector<16xi32>
      %eq3A_278 = arith.constant 4 : i32
      %eq3A_279 = vector.broadcast %eq3A_278 : i32 to vector<16xi32>
      %eq3A_280 = arith.cmpi eq, %iota3A, %eq3A_279 : vector<16xi32>
      %or3A_281 = arith.ori %eq3A_277, %eq3A_280 : vector<16xi1>
      %convert_element_type3A_282 = arith.extui %or3A_281 : vector<16xi1> to vector<16xi32>
      %convert_element_type3A_283 = arith.sitofp %convert_element_type3A_282 : vector<16xi32> to vector<16xf32>
      %mul3A_284 = arith.mulf %get3A_274, %convert_element_type3A_283 : vector<16xf32>
      %reduce_sum3A_285 = arith.constant true
      %reduce_sum3A_286 = vector.broadcast %reduce_sum3A_285 : i1 to vector<16xi1>
      %reduce_sum3A_287 = tpu.scan <sum>, %mul3A_284 masked %reduce_sum3A_286 : vector<16xf32>, vector<16xi1> -> vector<16xf32>
      %reduce_sum3A_288 = vector.extract %reduce_sum3A_287[15] : f32 from vector<16xf32>
      %add3A_289 = arith.addf %add3A_256, %reduce_sum3A_288 : f32
      %jit3A_290 = arith.constant -3.000000e+38 : f32
      %broadcast_in_dim3A_291 = vector.broadcast %jit3A_290 : f32 to vector<16xf32>
      %select_n3A_292 = arith.select %or3A_281, %get3A_274, %broadcast_in_dim3A_291 : vector<16xi1>, vector<16xf32>
      %reduce_max3A_293 = arith.constant true
      %reduce_max3A_294 = vector.broadcast %reduce_max3A_293 : i1 to vector<16xi1>
      %reduce_max3A_295 = tpu.scan <max>, %select_n3A_292 masked %reduce_max3A_294 : vector<16xf32>, vector<16xi1> -> vector<16xf32>
      %reduce_max3A_296 = vector.extract %reduce_max3A_295[15] : f32 from vector<16xf32>
      %max3A_297 = arith.maximumf %max3A_264, %reduce_max3A_296 : f32
      %jit3A_298 = arith.constant 3.000000e+38 : f32
      %broadcast_in_dim3A_299 = vector.broadcast %jit3A_298 : f32 to vector<16xf32>
      %select_n3A_300 = arith.select %or3A_281, %get3A_274, %broadcast_in_dim3A_299 : vector<16xi1>, vector<16xf32>
      %reduce_min3A_301 = arith.constant true
      %reduce_min3A_302 = vector.broadcast %reduce_min3A_301 : i1 to vector<16xi1>
      %reduce_min3A_303 = tpu.scan <min>, %select_n3A_300 masked %reduce_min3A_302 : vector<16xf32>, vector<16xi1> -> vector<16xf32>
      %reduce_min3A_304 = vector.extract %reduce_min3A_303[15] : f32 from vector<16xf32>
      %min3A_305 = arith.minimumf %min3A_272, %reduce_min3A_304 : f32
      %mul3A_306 = arith.constant 7.812500e-03 : f32
      %mul3A_307 = arith.mulf %add3A_289, %mul3A_306 : f32
      %sub3A = arith.subf %max3A_297, %mul3A_307 : f32
      %mul3A_308 = arith.constant 7.812500e-03 : f32
      %mul3A_309 = arith.mulf %add3A_289, %mul3A_308 : f32
      %sub3A_310 = arith.subf %min3A_305, %mul3A_309 : f32
      %get3A_311 = arith.constant 0 : index
      %get3A_312 = tpu.vector_load %arg6[%get3A_311] {strides = array<i32>} : memref<128xf32, #tpu.memory_space<vmem>>, vector<16xf32>,
      %ge3A = arith.constant 0.000000e+00 : f32
      %ge3A_313 = vector.broadcast %ge3A : f32 to vector<16xf32>
      %ge3A_314 = arith.cmpf oge, %get3A_312, %ge3A_313 : vector<16xf32>
      %mul3A_315 = vector.broadcast %sub3A : f32 to vector<16xf32>
      %mul3A_316 = arith.mulf %get3A_312, %mul3A_315 : vector<16xf32>
      %mul3A_317 = vector.broadcast %sub3A_310 : f32 to vector<16xf32>
      %mul3A_318 = arith.mulf %get3A_312, %mul3A_317 : vector<16xf32>
      %select_n3A_319 = arith.select %ge3A_314, %mul3A_316, %mul3A_318 : vector<16xi1>, vector<16xf32>
      %get3A_320 = arith.constant 16 : index
      %get3A_321 = tpu.vector_load %arg6[%get3A_320] {strides = array<i32>} : memref<128xf32, #tpu.memory_space<vmem>>, vector<16xf32>,
      %ge3A_322 = arith.constant 0.000000e+00 : f32
      %ge3A_323 = vector.broadcast %ge3A_322 : f32 to vector<16xf32>
      %ge3A_324 = arith.cmpf oge, %get3A_321, %ge3A_323 : vector<16xf32>
      %mul3A_325 = vector.broadcast %sub3A : f32 to vector<16xf32>
      %mul3A_326 = arith.mulf %get3A_321, %mul3A_325 : vector<16xf32>
      %mul3A_327 = vector.broadcast %sub3A_310 : f32 to vector<16xf32>
      %mul3A_328 = arith.mulf %get3A_321, %mul3A_327 : vector<16xf32>
      %select_n3A_329 = arith.select %ge3A_324, %mul3A_326, %mul3A_328 : vector<16xi1>, vector<16xf32>
      %get3A_330 = arith.constant 32 : index
      %get3A_331 = tpu.vector_load %arg6[%get3A_330] {strides = array<i32>} : memref<128xf32, #tpu.memory_space<vmem>>, vector<16xf32>,
      %ge3A_332 = arith.constant 0.000000e+00 : f32
      %ge3A_333 = vector.broadcast %ge3A_332 : f32 to vector<16xf32>
      %ge3A_334 = arith.cmpf oge, %get3A_331, %ge3A_333 : vector<16xf32>
      %mul3A_335 = vector.broadcast %sub3A : f32 to vector<16xf32>
      %mul3A_336 = arith.mulf %get3A_331, %mul3A_335 : vector<16xf32>
      %mul3A_337 = vector.broadcast %sub3A_310 : f32 to vector<16xf32>
      %mul3A_338 = arith.mulf %get3A_331, %mul3A_337 : vector<16xf32>
      %select_n3A_339 = arith.select %ge3A_334, %mul3A_336, %mul3A_338 : vector<16xi1>, vector<16xf32>
      %get3A_340 = arith.constant 48 : index
      %get3A_341 = tpu.vector_load %arg6[%get3A_340] {strides = array<i32>} : memref<128xf32, #tpu.memory_space<vmem>>, vector<16xf32>,
      %ge3A_342 = arith.constant 0.000000e+00 : f32
      %ge3A_343 = vector.broadcast %ge3A_342 : f32 to vector<16xf32>
      %ge3A_344 = arith.cmpf oge, %get3A_341, %ge3A_343 : vector<16xf32>
      %mul3A_345 = vector.broadcast %sub3A : f32 to vector<16xf32>
      %mul3A_346 = arith.mulf %get3A_341, %mul3A_345 : vector<16xf32>
      %mul3A_347 = vector.broadcast %sub3A_310 : f32 to vector<16xf32>
      %mul3A_348 = arith.mulf %get3A_341, %mul3A_347 : vector<16xf32>
      %select_n3A_349 = arith.select %ge3A_344, %mul3A_346, %mul3A_348 : vector<16xi1>, vector<16xf32>
      %get3A_350 = arith.constant 64 : index
      %get3A_351 = tpu.vector_load %arg6[%get3A_350] {strides = array<i32>} : memref<128xf32, #tpu.memory_space<vmem>>, vector<16xf32>,
      %ge3A_352 = arith.constant 0.000000e+00 : f32
      %ge3A_353 = vector.broadcast %ge3A_352 : f32 to vector<16xf32>
      %ge3A_354 = arith.cmpf oge, %get3A_351, %ge3A_353 : vector<16xf32>
      %mul3A_355 = vector.broadcast %sub3A : f32 to vector<16xf32>
      %mul3A_356 = arith.mulf %get3A_351, %mul3A_355 : vector<16xf32>
      %mul3A_357 = vector.broadcast %sub3A_310 : f32 to vector<16xf32>
      %mul3A_358 = arith.mulf %get3A_351, %mul3A_357 : vector<16xf32>
      %select_n3A_359 = arith.select %ge3A_354, %mul3A_356, %mul3A_358 : vector<16xi1>, vector<16xf32>
      %get3A_360 = arith.constant 80 : index
      %get3A_361 = tpu.vector_load %arg6[%get3A_360] {strides = array<i32>} : memref<128xf32, #tpu.memory_space<vmem>>, vector<16xf32>,
      %ge3A_362 = arith.constant 0.000000e+00 : f32
      %ge3A_363 = vector.broadcast %ge3A_362 : f32 to vector<16xf32>
      %ge3A_364 = arith.cmpf oge, %get3A_361, %ge3A_363 : vector<16xf32>
      %mul3A_365 = vector.broadcast %sub3A : f32 to vector<16xf32>
      %mul3A_366 = arith.mulf %get3A_361, %mul3A_365 : vector<16xf32>
      %mul3A_367 = vector.broadcast %sub3A_310 : f32 to vector<16xf32>
      %mul3A_368 = arith.mulf %get3A_361, %mul3A_367 : vector<16xf32>
      %select_n3A_369 = arith.select %ge3A_364, %mul3A_366, %mul3A_368 : vector<16xi1>, vector<16xf32>
      %get3A_370 = arith.constant 96 : index
      %get3A_371 = tpu.vector_load %arg6[%get3A_370] {strides = array<i32>} : memref<128xf32, #tpu.memory_space<vmem>>, vector<16xf32>,
      %ge3A_372 = arith.constant 0.000000e+00 : f32
      %ge3A_373 = vector.broadcast %ge3A_372 : f32 to vector<16xf32>
      %ge3A_374 = arith.cmpf oge, %get3A_371, %ge3A_373 : vector<16xf32>
      %mul3A_375 = vector.broadcast %sub3A : f32 to vector<16xf32>
      %mul3A_376 = arith.mulf %get3A_371, %mul3A_375 : vector<16xf32>
      %mul3A_377 = vector.broadcast %sub3A_310 : f32 to vector<16xf32>
      %mul3A_378 = arith.mulf %get3A_371, %mul3A_377 : vector<16xf32>
      %select_n3A_379 = arith.select %ge3A_374, %mul3A_376, %mul3A_378 : vector<16xi1>, vector<16xf32>
      %get3A_380 = arith.constant 112 : index
      %get3A_381 = tpu.vector_load %arg6[%get3A_380] {strides = array<i32>} : memref<128xf32, #tpu.memory_space<vmem>>, vector<16xf32>,
      %ge3A_382 = arith.constant 0.000000e+00 : f32
      %ge3A_383 = vector.broadcast %ge3A_382 : f32 to vector<16xf32>
      %ge3A_384 = arith.cmpf oge, %get3A_381, %ge3A_383 : vector<16xf32>
      %mul3A_385 = vector.broadcast %sub3A : f32 to vector<16xf32>
      %mul3A_386 = arith.mulf %get3A_381, %mul3A_385 : vector<16xf32>
      %mul3A_387 = vector.broadcast %sub3A_310 : f32 to vector<16xf32>
      %mul3A_388 = arith.mulf %get3A_381, %mul3A_387 : vector<16xf32>
      %select_n3A_389 = arith.select %ge3A_384, %mul3A_386, %mul3A_388 : vector<16xi1>, vector<16xf32>
      %broadcast_in_dim3A_390 = arith.constant -3.000000e+38 : f32
      %broadcast_in_dim3A_391 = vector.broadcast %broadcast_in_dim3A_390 : f32 to vector<16xf32>
      %broadcast_in_dim3A_392 = arith.constant -3.000000e+38 : f32
      %broadcast_in_dim3A_393 = vector.broadcast %broadcast_in_dim3A_392 : f32 to vector<16xf32>
      %sort3A = arith.constant dense<true> : vector<16xi1>
      %sort3A_394, %sort3A_395, %sort3A_396 = tpu.sort %select_n3A_319, %select_n3A_319 masked %sort3A : (vector<16xf32>, vector<16xf32>, vector<16xi1>) -> (vector<16xi1>, vector<16xf32>, vector<16xf32>)
      %rev3A = arith.constant 15 : i32
      %rev3A_397 = vector.broadcast %rev3A : i32 to vector<16xi32>
      %rev3A_398 = tpu.iota {dimensions = array<i32: 0>} : vector<16xi32>
      %rev3A_399 = arith.subi %rev3A_397, %rev3A_398 : vector<16xi32>
      %rev3A_400 = tpu.dynamic_gather %sort3A_395[%rev3A_399] in [0] : vector<16xf32>, vector<16xi32> -> vector<16xf32>
      %max3A_401 = arith.maximumf %broadcast_in_dim3A_391, %rev3A_400 : vector<16xf32>
      %sort3A_402 = arith.constant dense<true> : vector<16xi1>
      %sort3A_403, %sort3A_404, %sort3A_405 = tpu.sort %max3A_401, %max3A_401 masked %sort3A_402 : (vector<16xf32>, vector<16xf32>, vector<16xi1>) -> (vector<16xi1>, vector<16xf32>, vector<16xf32>)
      %min3A_406 = arith.minimumf %broadcast_in_dim3A_391, %rev3A_400 : vector<16xf32>
      %sort3A_407 = arith.constant dense<true> : vector<16xi1>
      %sort3A_408, %sort3A_409, %sort3A_410 = tpu.sort %min3A_406, %min3A_406 masked %sort3A_407 : (vector<16xf32>, vector<16xf32>, vector<16xi1>) -> (vector<16xi1>, vector<16xf32>, vector<16xf32>)
      %rev3A_411 = arith.constant 15 : i32
      %rev3A_412 = vector.broadcast %rev3A_411 : i32 to vector<16xi32>
      %rev3A_413 = tpu.iota {dimensions = array<i32: 0>} : vector<16xi32>
      %rev3A_414 = arith.subi %rev3A_412, %rev3A_413 : vector<16xi32>
      %rev3A_415 = tpu.dynamic_gather %sort3A_409[%rev3A_414] in [0] : vector<16xf32>, vector<16xi32> -> vector<16xf32>
      %max3A_416 = arith.maximumf %broadcast_in_dim3A_393, %rev3A_415 : vector<16xf32>
      %sort3A_417 = arith.constant dense<true> : vector<16xi1>
      %sort3A_418, %sort3A_419, %sort3A_420 = tpu.sort %max3A_416, %max3A_416 masked %sort3A_417 : (vector<16xf32>, vector<16xf32>, vector<16xi1>) -> (vector<16xi1>, vector<16xf32>, vector<16xf32>)
      %sort3A_421 = arith.constant dense<true> : vector<16xi1>
      %sort3A_422, %sort3A_423, %sort3A_424 = tpu.sort %select_n3A_329, %select_n3A_329 masked %sort3A_421 : (vector<16xf32>, vector<16xf32>, vector<16xi1>) -> (vector<16xi1>, vector<16xf32>, vector<16xf32>)
      %rev3A_425 = arith.constant 15 : i32
      %rev3A_426 = vector.broadcast %rev3A_425 : i32 to vector<16xi32>
      %rev3A_427 = tpu.iota {dimensions = array<i32: 0>} : vector<16xi32>
      %rev3A_428 = arith.subi %rev3A_426, %rev3A_427 : vector<16xi32>
      %rev3A_429 = tpu.dynamic_gather %sort3A_423[%rev3A_428] in [0] : vector<16xf32>, vector<16xi32> -> vector<16xf32>
      %max3A_430 = arith.maximumf %sort3A_404, %rev3A_429 : vector<16xf32>
      %sort3A_431 = arith.constant dense<true> : vector<16xi1>
      %sort3A_432, %sort3A_433, %sort3A_434 = tpu.sort %max3A_430, %max3A_430 masked %sort3A_431 : (vector<16xf32>, vector<16xf32>, vector<16xi1>) -> (vector<16xi1>, vector<16xf32>, vector<16xf32>)
      %min3A_435 = arith.minimumf %sort3A_404, %rev3A_429 : vector<16xf32>
      %sort3A_436 = arith.constant dense<true> : vector<16xi1>
      %sort3A_437, %sort3A_438, %sort3A_439 = tpu.sort %min3A_435, %min3A_435 masked %sort3A_436 : (vector<16xf32>, vector<16xf32>, vector<16xi1>) -> (vector<16xi1>, vector<16xf32>, vector<16xf32>)
      %rev3A_440 = arith.constant 15 : i32
      %rev3A_441 = vector.broadcast %rev3A_440 : i32 to vector<16xi32>
      %rev3A_442 = tpu.iota {dimensions = array<i32: 0>} : vector<16xi32>
      %rev3A_443 = arith.subi %rev3A_441, %rev3A_442 : vector<16xi32>
      %rev3A_444 = tpu.dynamic_gather %sort3A_438[%rev3A_443] in [0] : vector<16xf32>, vector<16xi32> -> vector<16xf32>
      %max3A_445 = arith.maximumf %sort3A_419, %rev3A_444 : vector<16xf32>
      %sort3A_446 = arith.constant dense<true> : vector<16xi1>
      %sort3A_447, %sort3A_448, %sort3A_449 = tpu.sort %max3A_445, %max3A_445 masked %sort3A_446 : (vector<16xf32>, vector<16xf32>, vector<16xi1>) -> (vector<16xi1>, vector<16xf32>, vector<16xf32>)
      %sort3A_450 = arith.constant dense<true> : vector<16xi1>
      %sort3A_451, %sort3A_452, %sort3A_453 = tpu.sort %select_n3A_339, %select_n3A_339 masked %sort3A_450 : (vector<16xf32>, vector<16xf32>, vector<16xi1>) -> (vector<16xi1>, vector<16xf32>, vector<16xf32>)
      %rev3A_454 = arith.constant 15 : i32
      %rev3A_455 = vector.broadcast %rev3A_454 : i32 to vector<16xi32>
      %rev3A_456 = tpu.iota {dimensions = array<i32: 0>} : vector<16xi32>
      %rev3A_457 = arith.subi %rev3A_455, %rev3A_456 : vector<16xi32>
      %rev3A_458 = tpu.dynamic_gather %sort3A_452[%rev3A_457] in [0] : vector<16xf32>, vector<16xi32> -> vector<16xf32>
      %max3A_459 = arith.maximumf %sort3A_433, %rev3A_458 : vector<16xf32>
      %sort3A_460 = arith.constant dense<true> : vector<16xi1>
      %sort3A_461, %sort3A_462, %sort3A_463 = tpu.sort %max3A_459, %max3A_459 masked %sort3A_460 : (vector<16xf32>, vector<16xf32>, vector<16xi1>) -> (vector<16xi1>, vector<16xf32>, vector<16xf32>)
      %min3A_464 = arith.minimumf %sort3A_433, %rev3A_458 : vector<16xf32>
      %sort3A_465 = arith.constant dense<true> : vector<16xi1>
      %sort3A_466, %sort3A_467, %sort3A_468 = tpu.sort %min3A_464, %min3A_464 masked %sort3A_465 : (vector<16xf32>, vector<16xf32>, vector<16xi1>) -> (vector<16xi1>, vector<16xf32>, vector<16xf32>)
      %rev3A_469 = arith.constant 15 : i32
      %rev3A_470 = vector.broadcast %rev3A_469 : i32 to vector<16xi32>
      %rev3A_471 = tpu.iota {dimensions = array<i32: 0>} : vector<16xi32>
      %rev3A_472 = arith.subi %rev3A_470, %rev3A_471 : vector<16xi32>
      %rev3A_473 = tpu.dynamic_gather %sort3A_467[%rev3A_472] in [0] : vector<16xf32>, vector<16xi32> -> vector<16xf32>
      %max3A_474 = arith.maximumf %sort3A_448, %rev3A_473 : vector<16xf32>
      %sort3A_475 = arith.constant dense<true> : vector<16xi1>
      %sort3A_476, %sort3A_477, %sort3A_478 = tpu.sort %max3A_474, %max3A_474 masked %sort3A_475 : (vector<16xf32>, vector<16xf32>, vector<16xi1>) -> (vector<16xi1>, vector<16xf32>, vector<16xf32>)
      %sort3A_479 = arith.constant dense<true> : vector<16xi1>
      %sort3A_480, %sort3A_481, %sort3A_482 = tpu.sort %select_n3A_349, %select_n3A_349 masked %sort3A_479 : (vector<16xf32>, vector<16xf32>, vector<16xi1>) -> (vector<16xi1>, vector<16xf32>, vector<16xf32>)
      %rev3A_483 = arith.constant 15 : i32
      %rev3A_484 = vector.broadcast %rev3A_483 : i32 to vector<16xi32>
      %rev3A_485 = tpu.iota {dimensions = array<i32: 0>} : vector<16xi32>
      %rev3A_486 = arith.subi %rev3A_484, %rev3A_485 : vector<16xi32>
      %rev3A_487 = tpu.dynamic_gather %sort3A_481[%rev3A_486] in [0] : vector<16xf32>, vector<16xi32> -> vector<16xf32>
      %max3A_488 = arith.maximumf %sort3A_462, %rev3A_487 : vector<16xf32>
      %sort3A_489 = arith.constant dense<true> : vector<16xi1>
      %sort3A_490, %sort3A_491, %sort3A_492 = tpu.sort %max3A_488, %max3A_488 masked %sort3A_489 : (vector<16xf32>, vector<16xf32>, vector<16xi1>) -> (vector<16xi1>, vector<16xf32>, vector<16xf32>)
      %min3A_493 = arith.minimumf %sort3A_462, %rev3A_487 : vector<16xf32>
      %sort3A_494 = arith.constant dense<true> : vector<16xi1>
      %sort3A_495, %sort3A_496, %sort3A_497 = tpu.sort %min3A_493, %min3A_493 masked %sort3A_494 : (vector<16xf32>, vector<16xf32>, vector<16xi1>) -> (vector<16xi1>, vector<16xf32>, vector<16xf32>)
      %rev3A_498 = arith.constant 15 : i32
      %rev3A_499 = vector.broadcast %rev3A_498 : i32 to vector<16xi32>
      %rev3A_500 = tpu.iota {dimensions = array<i32: 0>} : vector<16xi32>
      %rev3A_501 = arith.subi %rev3A_499, %rev3A_500 : vector<16xi32>
      %rev3A_502 = tpu.dynamic_gather %sort3A_496[%rev3A_501] in [0] : vector<16xf32>, vector<16xi32> -> vector<16xf32>
      %max3A_503 = arith.maximumf %sort3A_477, %rev3A_502 : vector<16xf32>
      %sort3A_504 = arith.constant dense<true> : vector<16xi1>
      %sort3A_505, %sort3A_506, %sort3A_507 = tpu.sort %max3A_503, %max3A_503 masked %sort3A_504 : (vector<16xf32>, vector<16xf32>, vector<16xi1>) -> (vector<16xi1>, vector<16xf32>, vector<16xf32>)
      %sort3A_508 = arith.constant dense<true> : vector<16xi1>
      %sort3A_509, %sort3A_510, %sort3A_511 = tpu.sort %select_n3A_359, %select_n3A_359 masked %sort3A_508 : (vector<16xf32>, vector<16xf32>, vector<16xi1>) -> (vector<16xi1>, vector<16xf32>, vector<16xf32>)
      %rev3A_512 = arith.constant 15 : i32
      %rev3A_513 = vector.broadcast %rev3A_512 : i32 to vector<16xi32>
      %rev3A_514 = tpu.iota {dimensions = array<i32: 0>} : vector<16xi32>
      %rev3A_515 = arith.subi %rev3A_513, %rev3A_514 : vector<16xi32>
      %rev3A_516 = tpu.dynamic_gather %sort3A_510[%rev3A_515] in [0] : vector<16xf32>, vector<16xi32> -> vector<16xf32>
      %max3A_517 = arith.maximumf %sort3A_491, %rev3A_516 : vector<16xf32>
      %sort3A_518 = arith.constant dense<true> : vector<16xi1>
      %sort3A_519, %sort3A_520, %sort3A_521 = tpu.sort %max3A_517, %max3A_517 masked %sort3A_518 : (vector<16xf32>, vector<16xf32>, vector<16xi1>) -> (vector<16xi1>, vector<16xf32>, vector<16xf32>)
      %min3A_522 = arith.minimumf %sort3A_491, %rev3A_516 : vector<16xf32>
      %sort3A_523 = arith.constant dense<true> : vector<16xi1>
      %sort3A_524, %sort3A_525, %sort3A_526 = tpu.sort %min3A_522, %min3A_522 masked %sort3A_523 : (vector<16xf32>, vector<16xf32>, vector<16xi1>) -> (vector<16xi1>, vector<16xf32>, vector<16xf32>)
      %rev3A_527 = arith.constant 15 : i32
      %rev3A_528 = vector.broadcast %rev3A_527 : i32 to vector<16xi32>
      %rev3A_529 = tpu.iota {dimensions = array<i32: 0>} : vector<16xi32>
      %rev3A_530 = arith.subi %rev3A_528, %rev3A_529 : vector<16xi32>
      %rev3A_531 = tpu.dynamic_gather %sort3A_525[%rev3A_530] in [0] : vector<16xf32>, vector<16xi32> -> vector<16xf32>
      %max3A_532 = arith.maximumf %sort3A_506, %rev3A_531 : vector<16xf32>
      %sort3A_533 = arith.constant dense<true> : vector<16xi1>
      %sort3A_534, %sort3A_535, %sort3A_536 = tpu.sort %max3A_532, %max3A_532 masked %sort3A_533 : (vector<16xf32>, vector<16xf32>, vector<16xi1>) -> (vector<16xi1>, vector<16xf32>, vector<16xf32>)
      %sort3A_537 = arith.constant dense<true> : vector<16xi1>
      %sort3A_538, %sort3A_539, %sort3A_540 = tpu.sort %select_n3A_369, %select_n3A_369 masked %sort3A_537 : (vector<16xf32>, vector<16xf32>, vector<16xi1>) -> (vector<16xi1>, vector<16xf32>, vector<16xf32>)
      %rev3A_541 = arith.constant 15 : i32
      %rev3A_542 = vector.broadcast %rev3A_541 : i32 to vector<16xi32>
      %rev3A_543 = tpu.iota {dimensions = array<i32: 0>} : vector<16xi32>
      %rev3A_544 = arith.subi %rev3A_542, %rev3A_543 : vector<16xi32>
      %rev3A_545 = tpu.dynamic_gather %sort3A_539[%rev3A_544] in [0] : vector<16xf32>, vector<16xi32> -> vector<16xf32>
      %max3A_546 = arith.maximumf %sort3A_520, %rev3A_545 : vector<16xf32>
      %sort3A_547 = arith.constant dense<true> : vector<16xi1>
      %sort3A_548, %sort3A_549, %sort3A_550 = tpu.sort %max3A_546, %max3A_546 masked %sort3A_547 : (vector<16xf32>, vector<16xf32>, vector<16xi1>) -> (vector<16xi1>, vector<16xf32>, vector<16xf32>)
      %min3A_551 = arith.minimumf %sort3A_520, %rev3A_545 : vector<16xf32>
      %sort3A_552 = arith.constant dense<true> : vector<16xi1>
      %sort3A_553, %sort3A_554, %sort3A_555 = tpu.sort %min3A_551, %min3A_551 masked %sort3A_552 : (vector<16xf32>, vector<16xf32>, vector<16xi1>) -> (vector<16xi1>, vector<16xf32>, vector<16xf32>)
      %rev3A_556 = arith.constant 15 : i32
      %rev3A_557 = vector.broadcast %rev3A_556 : i32 to vector<16xi32>
      %rev3A_558 = tpu.iota {dimensions = array<i32: 0>} : vector<16xi32>
      %rev3A_559 = arith.subi %rev3A_557, %rev3A_558 : vector<16xi32>
      %rev3A_560 = tpu.dynamic_gather %sort3A_554[%rev3A_559] in [0] : vector<16xf32>, vector<16xi32> -> vector<16xf32>
      %max3A_561 = arith.maximumf %sort3A_535, %rev3A_560 : vector<16xf32>
      %sort3A_562 = arith.constant dense<true> : vector<16xi1>
      %sort3A_563, %sort3A_564, %sort3A_565 = tpu.sort %max3A_561, %max3A_561 masked %sort3A_562 : (vector<16xf32>, vector<16xf32>, vector<16xi1>) -> (vector<16xi1>, vector<16xf32>, vector<16xf32>)
      %sort3A_566 = arith.constant dense<true> : vector<16xi1>
      %sort3A_567, %sort3A_568, %sort3A_569 = tpu.sort %select_n3A_379, %select_n3A_379 masked %sort3A_566 : (vector<16xf32>, vector<16xf32>, vector<16xi1>) -> (vector<16xi1>, vector<16xf32>, vector<16xf32>)
      %rev3A_570 = arith.constant 15 : i32
      %rev3A_571 = vector.broadcast %rev3A_570 : i32 to vector<16xi32>
      %rev3A_572 = tpu.iota {dimensions = array<i32: 0>} : vector<16xi32>
      %rev3A_573 = arith.subi %rev3A_571, %rev3A_572 : vector<16xi32>
      %rev3A_574 = tpu.dynamic_gather %sort3A_568[%rev3A_573] in [0] : vector<16xf32>, vector<16xi32> -> vector<16xf32>
      %max3A_575 = arith.maximumf %sort3A_549, %rev3A_574 : vector<16xf32>
      %sort3A_576 = arith.constant dense<true> : vector<16xi1>
      %sort3A_577, %sort3A_578, %sort3A_579 = tpu.sort %max3A_575, %max3A_575 masked %sort3A_576 : (vector<16xf32>, vector<16xf32>, vector<16xi1>) -> (vector<16xi1>, vector<16xf32>, vector<16xf32>)
      %min3A_580 = arith.minimumf %sort3A_549, %rev3A_574 : vector<16xf32>
      %sort3A_581 = arith.constant dense<true> : vector<16xi1>
      %sort3A_582, %sort3A_583, %sort3A_584 = tpu.sort %min3A_580, %min3A_580 masked %sort3A_581 : (vector<16xf32>, vector<16xf32>, vector<16xi1>) -> (vector<16xi1>, vector<16xf32>, vector<16xf32>)
      %rev3A_585 = arith.constant 15 : i32
      %rev3A_586 = vector.broadcast %rev3A_585 : i32 to vector<16xi32>
      %rev3A_587 = tpu.iota {dimensions = array<i32: 0>} : vector<16xi32>
      %rev3A_588 = arith.subi %rev3A_586, %rev3A_587 : vector<16xi32>
      %rev3A_589 = tpu.dynamic_gather %sort3A_583[%rev3A_588] in [0] : vector<16xf32>, vector<16xi32> -> vector<16xf32>
      %max3A_590 = arith.maximumf %sort3A_564, %rev3A_589 : vector<16xf32>
      %sort3A_591 = arith.constant dense<true> : vector<16xi1>
      %sort3A_592, %sort3A_593, %sort3A_594 = tpu.sort %max3A_590, %max3A_590 masked %sort3A_591 : (vector<16xf32>, vector<16xf32>, vector<16xi1>) -> (vector<16xi1>, vector<16xf32>, vector<16xf32>)
      %sort3A_595 = arith.constant dense<true> : vector<16xi1>
      %sort3A_596, %sort3A_597, %sort3A_598 = tpu.sort %select_n3A_389, %select_n3A_389 masked %sort3A_595 : (vector<16xf32>, vector<16xf32>, vector<16xi1>) -> (vector<16xi1>, vector<16xf32>, vector<16xf32>)
      %rev3A_599 = arith.constant 15 : i32
      %rev3A_600 = vector.broadcast %rev3A_599 : i32 to vector<16xi32>
      %rev3A_601 = tpu.iota {dimensions = array<i32: 0>} : vector<16xi32>
      %rev3A_602 = arith.subi %rev3A_600, %rev3A_601 : vector<16xi32>
      %rev3A_603 = tpu.dynamic_gather %sort3A_597[%rev3A_602] in [0] : vector<16xf32>, vector<16xi32> -> vector<16xf32>
      %max3A_604 = arith.maximumf %sort3A_578, %rev3A_603 : vector<16xf32>
      %sort3A_605 = arith.constant dense<true> : vector<16xi1>
      %sort3A_606, %sort3A_607, %sort3A_608 = tpu.sort %max3A_604, %max3A_604 masked %sort3A_605 : (vector<16xf32>, vector<16xf32>, vector<16xi1>) -> (vector<16xi1>, vector<16xf32>, vector<16xf32>)
      %min3A_609 = arith.minimumf %sort3A_578, %rev3A_603 : vector<16xf32>
      %sort3A_610 = arith.constant dense<true> : vector<16xi1>
      %sort3A_611, %sort3A_612, %sort3A_613 = tpu.sort %min3A_609, %min3A_609 masked %sort3A_610 : (vector<16xf32>, vector<16xf32>, vector<16xi1>) -> (vector<16xi1>, vector<16xf32>, vector<16xf32>)
      %rev3A_614 = arith.constant 15 : i32
      %rev3A_615 = vector.broadcast %rev3A_614 : i32 to vector<16xi32>
      %rev3A_616 = tpu.iota {dimensions = array<i32: 0>} : vector<16xi32>
      %rev3A_617 = arith.subi %rev3A_615, %rev3A_616 : vector<16xi32>
      %rev3A_618 = tpu.dynamic_gather %sort3A_612[%rev3A_617] in [0] : vector<16xf32>, vector<16xi32> -> vector<16xf32>
      %max3A_619 = arith.maximumf %sort3A_593, %rev3A_618 : vector<16xf32>
      %sort3A_620 = arith.constant dense<true> : vector<16xi1>
      %sort3A_621, %sort3A_622, %sort3A_623 = tpu.sort %max3A_619, %max3A_619 masked %sort3A_620 : (vector<16xf32>, vector<16xf32>, vector<16xi1>) -> (vector<16xi1>, vector<16xf32>, vector<16xf32>)
      %eq3A_624 = arith.constant 7 : i32
      %eq3A_625 = vector.broadcast %eq3A_624 : i32 to vector<16xi32>
      %eq3A_626 = arith.cmpi eq, %iota3A, %eq3A_625 : vector<16xi32>
      %jit3A_627 = arith.constant -3.000000e+38 : f32
      %broadcast_in_dim3A_628 = vector.broadcast %jit3A_627 : f32 to vector<16xf32>
      %select_n3A_629 = arith.select %eq3A_626, %sort3A_622, %broadcast_in_dim3A_628 : vector<16xi1>, vector<16xf32>
      %reduce_max3A_630 = arith.constant true
      %reduce_max3A_631 = vector.broadcast %reduce_max3A_630 : i1 to vector<16xi1>
      %reduce_max3A_632 = tpu.scan <max>, %select_n3A_629 masked %reduce_max3A_631 : vector<16xf32>, vector<16xi1> -> vector<16xf32>
      %reduce_max3A_633 = vector.extract %reduce_max3A_632[15] : f32 from vector<16xf32>
      %gt3A = vector.broadcast %reduce_max3A_633 : f32 to vector<16xf32>
      %gt3A_634 = arith.cmpf ogt, %select_n3A_319, %gt3A : vector<16xf32>
      %convert_element_type3A_635 = arith.extui %gt3A_634 : vector<16xi1> to vector<16xi32>
      %convert_element_type3A_636 = arith.sitofp %convert_element_type3A_635 : vector<16xi32> to vector<16xf32>
      %reduce_sum3A_637 = arith.constant true
      %reduce_sum3A_638 = vector.broadcast %reduce_sum3A_637 : i1 to vector<16xi1>
      %reduce_sum3A_639 = tpu.scan <sum>, %convert_element_type3A_636 masked %reduce_sum3A_638 : vector<16xf32>, vector<16xi1> -> vector<16xf32>
      %reduce_sum3A_640 = vector.extract %reduce_sum3A_639[15] : f32 from vector<16xf32>
      %add3A_641 = arith.constant 0.000000e+00 : f32
      %add3A_642 = arith.addf %add3A_641, %reduce_sum3A_640 : f32
      %gt3A_643 = vector.broadcast %reduce_max3A_633 : f32 to vector<16xf32>
      %gt3A_644 = arith.cmpf ogt, %select_n3A_329, %gt3A_643 : vector<16xf32>
      %convert_element_type3A_645 = arith.extui %gt3A_644 : vector<16xi1> to vector<16xi32>
      %convert_element_type3A_646 = arith.sitofp %convert_element_type3A_645 : vector<16xi32> to vector<16xf32>
      %reduce_sum3A_647 = arith.constant true
      %reduce_sum3A_648 = vector.broadcast %reduce_sum3A_647 : i1 to vector<16xi1>
      %reduce_sum3A_649 = tpu.scan <sum>, %convert_element_type3A_646 masked %reduce_sum3A_648 : vector<16xf32>, vector<16xi1> -> vector<16xf32>
      %reduce_sum3A_650 = vector.extract %reduce_sum3A_649[15] : f32 from vector<16xf32>
      %add3A_651 = arith.addf %add3A_642, %reduce_sum3A_650 : f32
      %gt3A_652 = vector.broadcast %reduce_max3A_633 : f32 to vector<16xf32>
      %gt3A_653 = arith.cmpf ogt, %select_n3A_339, %gt3A_652 : vector<16xf32>
      %convert_element_type3A_654 = arith.extui %gt3A_653 : vector<16xi1> to vector<16xi32>
      %convert_element_type3A_655 = arith.sitofp %convert_element_type3A_654 : vector<16xi32> to vector<16xf32>
      %reduce_sum3A_656 = arith.constant true
      %reduce_sum3A_657 = vector.broadcast %reduce_sum3A_656 : i1 to vector<16xi1>
      %reduce_sum3A_658 = tpu.scan <sum>, %convert_element_type3A_655 masked %reduce_sum3A_657 : vector<16xf32>, vector<16xi1> -> vector<16xf32>
      %reduce_sum3A_659 = vector.extract %reduce_sum3A_658[15] : f32 from vector<16xf32>
      %add3A_660 = arith.addf %add3A_651, %reduce_sum3A_659 : f32
      %gt3A_661 = vector.broadcast %reduce_max3A_633 : f32 to vector<16xf32>
      %gt3A_662 = arith.cmpf ogt, %select_n3A_349, %gt3A_661 : vector<16xf32>
      %convert_element_type3A_663 = arith.extui %gt3A_662 : vector<16xi1> to vector<16xi32>
      %convert_element_type3A_664 = arith.sitofp %convert_element_type3A_663 : vector<16xi32> to vector<16xf32>
      %reduce_sum3A_665 = arith.constant true
      %reduce_sum3A_666 = vector.broadcast %reduce_sum3A_665 : i1 to vector<16xi1>
      %reduce_sum3A_667 = tpu.scan <sum>, %convert_element_type3A_664 masked %reduce_sum3A_666 : vector<16xf32>, vector<16xi1> -> vector<16xf32>
      %reduce_sum3A_668 = vector.extract %reduce_sum3A_667[15] : f32 from vector<16xf32>
      %add3A_669 = arith.addf %add3A_660, %reduce_sum3A_668 : f32
      %gt3A_670 = vector.broadcast %reduce_max3A_633 : f32 to vector<16xf32>
      %gt3A_671 = arith.cmpf ogt, %select_n3A_359, %gt3A_670 : vector<16xf32>
      %convert_element_type3A_672 = arith.extui %gt3A_671 : vector<16xi1> to vector<16xi32>
      %convert_element_type3A_673 = arith.sitofp %convert_element_type3A_672 : vector<16xi32> to vector<16xf32>
      %reduce_sum3A_674 = arith.constant true
      %reduce_sum3A_675 = vector.broadcast %reduce_sum3A_674 : i1 to vector<16xi1>
      %reduce_sum3A_676 = tpu.scan <sum>, %convert_element_type3A_673 masked %reduce_sum3A_675 : vector<16xf32>, vector<16xi1> -> vector<16xf32>
      %reduce_sum3A_677 = vector.extract %reduce_sum3A_676[15] : f32 from vector<16xf32>
      %add3A_678 = arith.addf %add3A_669, %reduce_sum3A_677 : f32
      %gt3A_679 = vector.broadcast %reduce_max3A_633 : f32 to vector<16xf32>
      %gt3A_680 = arith.cmpf ogt, %select_n3A_369, %gt3A_679 : vector<16xf32>
      %convert_element_type3A_681 = arith.extui %gt3A_680 : vector<16xi1> to vector<16xi32>
      %convert_element_type3A_682 = arith.sitofp %convert_element_type3A_681 : vector<16xi32> to vector<16xf32>
      %reduce_sum3A_683 = arith.constant true
      %reduce_sum3A_684 = vector.broadcast %reduce_sum3A_683 : i1 to vector<16xi1>
      %reduce_sum3A_685 = tpu.scan <sum>, %convert_element_type3A_682 masked %reduce_sum3A_684 : vector<16xf32>, vector<16xi1> -> vector<16xf32>
      %reduce_sum3A_686 = vector.extract %reduce_sum3A_685[15] : f32 from vector<16xf32>
      %add3A_687 = arith.addf %add3A_678, %reduce_sum3A_686 : f32
      %gt3A_688 = vector.broadcast %reduce_max3A_633 : f32 to vector<16xf32>
      %gt3A_689 = arith.cmpf ogt, %select_n3A_379, %gt3A_688 : vector<16xf32>
      %convert_element_type3A_690 = arith.extui %gt3A_689 : vector<16xi1> to vector<16xi32>
      %convert_element_type3A_691 = arith.sitofp %convert_element_type3A_690 : vector<16xi32> to vector<16xf32>
      %reduce_sum3A_692 = arith.constant true
      %reduce_sum3A_693 = vector.broadcast %reduce_sum3A_692 : i1 to vector<16xi1>
      %reduce_sum3A_694 = tpu.scan <sum>, %convert_element_type3A_691 masked %reduce_sum3A_693 : vector<16xf32>, vector<16xi1> -> vector<16xf32>
      %reduce_sum3A_695 = vector.extract %reduce_sum3A_694[15] : f32 from vector<16xf32>
      %add3A_696 = arith.addf %add3A_687, %reduce_sum3A_695 : f32
      %gt3A_697 = vector.broadcast %reduce_max3A_633 : f32 to vector<16xf32>
      %gt3A_698 = arith.cmpf ogt, %select_n3A_389, %gt3A_697 : vector<16xf32>
      %convert_element_type3A_699 = arith.extui %gt3A_698 : vector<16xi1> to vector<16xi32>
      %convert_element_type3A_700 = arith.sitofp %convert_element_type3A_699 : vector<16xi32> to vector<16xf32>
      %reduce_sum3A_701 = arith.constant true
      %reduce_sum3A_702 = vector.broadcast %reduce_sum3A_701 : i1 to vector<16xi1>
      %reduce_sum3A_703 = tpu.scan <sum>, %convert_element_type3A_700 masked %reduce_sum3A_702 : vector<16xf32>, vector<16xi1> -> vector<16xf32>
      %reduce_sum3A_704 = vector.extract %reduce_sum3A_703[15] : f32 from vector<16xf32>
      %add3A_705 = arith.addf %add3A_696, %reduce_sum3A_704 : f32
      %sub3A_706 = arith.constant 2.500000e+01 : f32
      %sub3A_707 = arith.subf %sub3A_706, %add3A_705 : f32
      %get3A_708 = arith.constant 0 : index
      %get3A_709 = tpu.vector_load %arg8[%get3A_708] {strides = array<i32>} : memref<128xf32, #tpu.memory_space<vmem>>, vector<16xf32>,
      %cumsum3A = arith.constant true
      %cumsum3A_710 = vector.broadcast %cumsum3A : i1 to vector<16xi1>
      %cumsum3A_711 = tpu.scan <sum>, %get3A_709 masked %cumsum3A_710 : vector<16xf32>, vector<16xi1> -> vector<16xf32>
      %add3A_712 = arith.constant 0.000000e+00 : f32
      %add3A_713 = vector.broadcast %add3A_712 : f32 to vector<16xf32>
      %add3A_714 = arith.addf %cumsum3A_711, %add3A_713 : vector<16xf32>
      %reduce_sum3A_715 = arith.constant true
      %reduce_sum3A_716 = vector.broadcast %reduce_sum3A_715 : i1 to vector<16xi1>
      %reduce_sum3A_717 = tpu.scan <sum>, %get3A_709 masked %reduce_sum3A_716 : vector<16xf32>, vector<16xi1> -> vector<16xf32>
      %reduce_sum3A_718 = vector.extract %reduce_sum3A_717[15] : f32 from vector<16xf32>
      %add3A_719 = arith.constant 0.000000e+00 : f32
      %add3A_720 = arith.addf %add3A_719, %reduce_sum3A_718 : f32
      %add3A_721 = arith.constant 1 : i32
      %add3A_722 = vector.broadcast %add3A_721 : i32 to vector<16xi32>
      %add3A_723 = arith.addi %iota3A, %add3A_722 : vector<16xi32>
      %convert_element_type3A_724 = arith.sitofp %add3A_723 : vector<16xi32> to vector<16xf32>
      %eq3A_725 = vector.broadcast %reduce_max3A_633 : f32 to vector<16xf32>
      %eq3A_726 = arith.cmpf oeq, %select_n3A_319, %eq3A_725 : vector<16xf32>
      %convert_element_type3A_727 = arith.extui %eq3A_726 : vector<16xi1> to vector<16xi32>
      %convert_element_type3A_728 = arith.sitofp %convert_element_type3A_727 : vector<16xi32> to vector<16xf32>
      %cumsum3A_729 = arith.constant true
      %cumsum3A_730 = vector.broadcast %cumsum3A_729 : i1 to vector<16xi1>
      %cumsum3A_731 = tpu.scan <sum>, %convert_element_type3A_728 masked %cumsum3A_730 : vector<16xf32>, vector<16xi1> -> vector<16xf32>
      %sub3A_732 = arith.subf %cumsum3A_731, %convert_element_type3A_728 : vector<16xf32>
      %add3A_733 = arith.constant 0.000000e+00 : f32
      %add3A_734 = vector.broadcast %add3A_733 : f32 to vector<16xf32>
      %add3A_735 = arith.addf %sub3A_732, %add3A_734 : vector<16xf32>
      %reduce_max3A_736 = arith.constant true
      %reduce_max3A_737 = vector.broadcast %reduce_max3A_736 : i1 to vector<16xi1>
      %reduce_max3A_738 = tpu.scan <max>, %cumsum3A_731 masked %reduce_max3A_737 : vector<16xf32>, vector<16xi1> -> vector<16xf32>
      %reduce_max3A_739 = vector.extract %reduce_max3A_738[15] : f32 from vector<16xf32>
      %add3A_740 = arith.constant 0.000000e+00 : f32
      %add3A_741 = arith.addf %add3A_740, %reduce_max3A_739 : f32
      %gt3A_742 = vector.broadcast %reduce_max3A_633 : f32 to vector<16xf32>
      %gt3A_743 = arith.cmpf ogt, %select_n3A_319, %gt3A_742 : vector<16xf32>
      %gt3A_744 = arith.constant 0.000000e+00 : f32
      %gt3A_745 = vector.broadcast %gt3A_744 : f32 to vector<16xf32>
      %gt3A_746 = arith.cmpf ogt, %convert_element_type3A_728, %gt3A_745 : vector<16xf32>
      %lt3A_747 = vector.broadcast %sub3A_707 : f32 to vector<16xf32>
      %lt3A_748 = arith.cmpf olt, %add3A_735, %lt3A_747 : vector<16xf32>
      %and3A = arith.andi %gt3A_746, %lt3A_748 : vector<16xi1>
      %or3A_749 = arith.ori %gt3A_743, %and3A : vector<16xi1>
      %div3A = arith.divf %add3A_714, %convert_element_type3A_724 : vector<16xf32>
      %select_n3A_750 = arith.select %or3A_749, %div3A, %get3A_709 : vector<16xi1>, vector<16xf32>
      %swap3A = arith.constant 0 : index
      %swap3A_751 = tpu.vector_load %arg9[%swap3A] {strides = array<i32>} : memref<128xf32, #tpu.memory_space<vmem>>, vector<16xf32>,
      tpu.vector_store %arg9[%swap3A], %select_n3A_750 {strides = array<i32>} : memref<128xf32, #tpu.memory_space<vmem>>, vector<16xf32>,
      %get3A_752 = arith.constant 16 : index
      %get3A_753 = tpu.vector_load %arg8[%get3A_752] {strides = array<i32>} : memref<128xf32, #tpu.memory_space<vmem>>, vector<16xf32>,
      %cumsum3A_754 = arith.constant true
      %cumsum3A_755 = vector.broadcast %cumsum3A_754 : i1 to vector<16xi1>
      %cumsum3A_756 = tpu.scan <sum>, %get3A_753 masked %cumsum3A_755 : vector<16xf32>, vector<16xi1> -> vector<16xf32>
      %add3A_757 = vector.broadcast %add3A_720 : f32 to vector<16xf32>
      %add3A_758 = arith.addf %cumsum3A_756, %add3A_757 : vector<16xf32>
      %reduce_sum3A_759 = arith.constant true
      %reduce_sum3A_760 = vector.broadcast %reduce_sum3A_759 : i1 to vector<16xi1>
      %reduce_sum3A_761 = tpu.scan <sum>, %get3A_753 masked %reduce_sum3A_760 : vector<16xf32>, vector<16xi1> -> vector<16xf32>
      %reduce_sum3A_762 = vector.extract %reduce_sum3A_761[15] : f32 from vector<16xf32>
      %add3A_763 = arith.addf %add3A_720, %reduce_sum3A_762 : f32
      %add3A_764 = arith.constant 17 : i32
      %add3A_765 = vector.broadcast %add3A_764 : i32 to vector<16xi32>
      %add3A_766 = arith.addi %iota3A, %add3A_765 : vector<16xi32>
      %convert_element_type3A_767 = arith.sitofp %add3A_766 : vector<16xi32> to vector<16xf32>
      %eq3A_768 = vector.broadcast %reduce_max3A_633 : f32 to vector<16xf32>
      %eq3A_769 = arith.cmpf oeq, %select_n3A_329, %eq3A_768 : vector<16xf32>
      %convert_element_type3A_770 = arith.extui %eq3A_769 : vector<16xi1> to vector<16xi32>
      %convert_element_type3A_771 = arith.sitofp %convert_element_type3A_770 : vector<16xi32> to vector<16xf32>
      %cumsum3A_772 = arith.constant true
      %cumsum3A_773 = vector.broadcast %cumsum3A_772 : i1 to vector<16xi1>
      %cumsum3A_774 = tpu.scan <sum>, %convert_element_type3A_771 masked %cumsum3A_773 : vector<16xf32>, vector<16xi1> -> vector<16xf32>
      %sub3A_775 = arith.subf %cumsum3A_774, %convert_element_type3A_771 : vector<16xf32>
      %add3A_776 = vector.broadcast %add3A_741 : f32 to vector<16xf32>
      %add3A_777 = arith.addf %sub3A_775, %add3A_776 : vector<16xf32>
      %reduce_max3A_778 = arith.constant true
      %reduce_max3A_779 = vector.broadcast %reduce_max3A_778 : i1 to vector<16xi1>
      %reduce_max3A_780 = tpu.scan <max>, %cumsum3A_774 masked %reduce_max3A_779 : vector<16xf32>, vector<16xi1> -> vector<16xf32>
      %reduce_max3A_781 = vector.extract %reduce_max3A_780[15] : f32 from vector<16xf32>
      %add3A_782 = arith.addf %add3A_741, %reduce_max3A_781 : f32
      %gt3A_783 = vector.broadcast %reduce_max3A_633 : f32 to vector<16xf32>
      %gt3A_784 = arith.cmpf ogt, %select_n3A_329, %gt3A_783 : vector<16xf32>
      %gt3A_785 = arith.constant 0.000000e+00 : f32
      %gt3A_786 = vector.broadcast %gt3A_785 : f32 to vector<16xf32>
      %gt3A_787 = arith.cmpf ogt, %convert_element_type3A_771, %gt3A_786 : vector<16xf32>
      %lt3A_788 = vector.broadcast %sub3A_707 : f32 to vector<16xf32>
      %lt3A_789 = arith.cmpf olt, %add3A_777, %lt3A_788 : vector<16xf32>
      %and3A_790 = arith.andi %gt3A_787, %lt3A_789 : vector<16xi1>
      %or3A_791 = arith.ori %gt3A_784, %and3A_790 : vector<16xi1>
      %div3A_792 = arith.divf %add3A_758, %convert_element_type3A_767 : vector<16xf32>
      %select_n3A_793 = arith.select %or3A_791, %div3A_792, %get3A_753 : vector<16xi1>, vector<16xf32>
      %swap3A_794 = arith.constant 16 : index
      %swap3A_795 = tpu.vector_load %arg9[%swap3A_794] {strides = array<i32>} : memref<128xf32, #tpu.memory_space<vmem>>, vector<16xf32>,
      tpu.vector_store %arg9[%swap3A_794], %select_n3A_793 {strides = array<i32>} : memref<128xf32, #tpu.memory_space<vmem>>, vector<16xf32>,
      %get3A_796 = arith.constant 32 : index
      %get3A_797 = tpu.vector_load %arg8[%get3A_796] {strides = array<i32>} : memref<128xf32, #tpu.memory_space<vmem>>, vector<16xf32>,
      %cumsum3A_798 = arith.constant true
      %cumsum3A_799 = vector.broadcast %cumsum3A_798 : i1 to vector<16xi1>
      %cumsum3A_800 = tpu.scan <sum>, %get3A_797 masked %cumsum3A_799 : vector<16xf32>, vector<16xi1> -> vector<16xf32>
      %add3A_801 = vector.broadcast %add3A_763 : f32 to vector<16xf32>
      %add3A_802 = arith.addf %cumsum3A_800, %add3A_801 : vector<16xf32>
      %reduce_sum3A_803 = arith.constant true
      %reduce_sum3A_804 = vector.broadcast %reduce_sum3A_803 : i1 to vector<16xi1>
      %reduce_sum3A_805 = tpu.scan <sum>, %get3A_797 masked %reduce_sum3A_804 : vector<16xf32>, vector<16xi1> -> vector<16xf32>
      %reduce_sum3A_806 = vector.extract %reduce_sum3A_805[15] : f32 from vector<16xf32>
      %add3A_807 = arith.addf %add3A_763, %reduce_sum3A_806 : f32
      %add3A_808 = arith.constant 33 : i32
      %add3A_809 = vector.broadcast %add3A_808 : i32 to vector<16xi32>
      %add3A_810 = arith.addi %iota3A, %add3A_809 : vector<16xi32>
      %convert_element_type3A_811 = arith.sitofp %add3A_810 : vector<16xi32> to vector<16xf32>
      %eq3A_812 = vector.broadcast %reduce_max3A_633 : f32 to vector<16xf32>
      %eq3A_813 = arith.cmpf oeq, %select_n3A_339, %eq3A_812 : vector<16xf32>
      %convert_element_type3A_814 = arith.extui %eq3A_813 : vector<16xi1> to vector<16xi32>
      %convert_element_type3A_815 = arith.sitofp %convert_element_type3A_814 : vector<16xi32> to vector<16xf32>
      %cumsum3A_816 = arith.constant true
      %cumsum3A_817 = vector.broadcast %cumsum3A_816 : i1 to vector<16xi1>
      %cumsum3A_818 = tpu.scan <sum>, %convert_element_type3A_815 masked %cumsum3A_817 : vector<16xf32>, vector<16xi1> -> vector<16xf32>
      %sub3A_819 = arith.subf %cumsum3A_818, %convert_element_type3A_815 : vector<16xf32>
      %add3A_820 = vector.broadcast %add3A_782 : f32 to vector<16xf32>
      %add3A_821 = arith.addf %sub3A_819, %add3A_820 : vector<16xf32>
      %reduce_max3A_822 = arith.constant true
      %reduce_max3A_823 = vector.broadcast %reduce_max3A_822 : i1 to vector<16xi1>
      %reduce_max3A_824 = tpu.scan <max>, %cumsum3A_818 masked %reduce_max3A_823 : vector<16xf32>, vector<16xi1> -> vector<16xf32>
      %reduce_max3A_825 = vector.extract %reduce_max3A_824[15] : f32 from vector<16xf32>
      %add3A_826 = arith.addf %add3A_782, %reduce_max3A_825 : f32
      %gt3A_827 = vector.broadcast %reduce_max3A_633 : f32 to vector<16xf32>
      %gt3A_828 = arith.cmpf ogt, %select_n3A_339, %gt3A_827 : vector<16xf32>
      %gt3A_829 = arith.constant 0.000000e+00 : f32
      %gt3A_830 = vector.broadcast %gt3A_829 : f32 to vector<16xf32>
      %gt3A_831 = arith.cmpf ogt, %convert_element_type3A_815, %gt3A_830 : vector<16xf32>
      %lt3A_832 = vector.broadcast %sub3A_707 : f32 to vector<16xf32>
      %lt3A_833 = arith.cmpf olt, %add3A_821, %lt3A_832 : vector<16xf32>
      %and3A_834 = arith.andi %gt3A_831, %lt3A_833 : vector<16xi1>
      %or3A_835 = arith.ori %gt3A_828, %and3A_834 : vector<16xi1>
      %div3A_836 = arith.divf %add3A_802, %convert_element_type3A_811 : vector<16xf32>
      %select_n3A_837 = arith.select %or3A_835, %div3A_836, %get3A_797 : vector<16xi1>, vector<16xf32>
      %swap3A_838 = arith.constant 32 : index
      %swap3A_839 = tpu.vector_load %arg9[%swap3A_838] {strides = array<i32>} : memref<128xf32, #tpu.memory_space<vmem>>, vector<16xf32>,
      tpu.vector_store %arg9[%swap3A_838], %select_n3A_837 {strides = array<i32>} : memref<128xf32, #tpu.memory_space<vmem>>, vector<16xf32>,
      %get3A_840 = arith.constant 48 : index
      %get3A_841 = tpu.vector_load %arg8[%get3A_840] {strides = array<i32>} : memref<128xf32, #tpu.memory_space<vmem>>, vector<16xf32>,
      %cumsum3A_842 = arith.constant true
      %cumsum3A_843 = vector.broadcast %cumsum3A_842 : i1 to vector<16xi1>
      %cumsum3A_844 = tpu.scan <sum>, %get3A_841 masked %cumsum3A_843 : vector<16xf32>, vector<16xi1> -> vector<16xf32>
      %add3A_845 = vector.broadcast %add3A_807 : f32 to vector<16xf32>
      %add3A_846 = arith.addf %cumsum3A_844, %add3A_845 : vector<16xf32>
      %reduce_sum3A_847 = arith.constant true
      %reduce_sum3A_848 = vector.broadcast %reduce_sum3A_847 : i1 to vector<16xi1>
      %reduce_sum3A_849 = tpu.scan <sum>, %get3A_841 masked %reduce_sum3A_848 : vector<16xf32>, vector<16xi1> -> vector<16xf32>
      %reduce_sum3A_850 = vector.extract %reduce_sum3A_849[15] : f32 from vector<16xf32>
      %add3A_851 = arith.addf %add3A_807, %reduce_sum3A_850 : f32
      %add3A_852 = arith.constant 49 : i32
      %add3A_853 = vector.broadcast %add3A_852 : i32 to vector<16xi32>
      %add3A_854 = arith.addi %iota3A, %add3A_853 : vector<16xi32>
      %convert_element_type3A_855 = arith.sitofp %add3A_854 : vector<16xi32> to vector<16xf32>
      %eq3A_856 = vector.broadcast %reduce_max3A_633 : f32 to vector<16xf32>
      %eq3A_857 = arith.cmpf oeq, %select_n3A_349, %eq3A_856 : vector<16xf32>
      %convert_element_type3A_858 = arith.extui %eq3A_857 : vector<16xi1> to vector<16xi32>
      %convert_element_type3A_859 = arith.sitofp %convert_element_type3A_858 : vector<16xi32> to vector<16xf32>
      %cumsum3A_860 = arith.constant true
      %cumsum3A_861 = vector.broadcast %cumsum3A_860 : i1 to vector<16xi1>
      %cumsum3A_862 = tpu.scan <sum>, %convert_element_type3A_859 masked %cumsum3A_861 : vector<16xf32>, vector<16xi1> -> vector<16xf32>
      %sub3A_863 = arith.subf %cumsum3A_862, %convert_element_type3A_859 : vector<16xf32>
      %add3A_864 = vector.broadcast %add3A_826 : f32 to vector<16xf32>
      %add3A_865 = arith.addf %sub3A_863, %add3A_864 : vector<16xf32>
      %reduce_max3A_866 = arith.constant true
      %reduce_max3A_867 = vector.broadcast %reduce_max3A_866 : i1 to vector<16xi1>
      %reduce_max3A_868 = tpu.scan <max>, %cumsum3A_862 masked %reduce_max3A_867 : vector<16xf32>, vector<16xi1> -> vector<16xf32>
      %reduce_max3A_869 = vector.extract %reduce_max3A_868[15] : f32 from vector<16xf32>
      %add3A_870 = arith.addf %add3A_826, %reduce_max3A_869 : f32
      %gt3A_871 = vector.broadcast %reduce_max3A_633 : f32 to vector<16xf32>
      %gt3A_872 = arith.cmpf ogt, %select_n3A_349, %gt3A_871 : vector<16xf32>
      %gt3A_873 = arith.constant 0.000000e+00 : f32
      %gt3A_874 = vector.broadcast %gt3A_873 : f32 to vector<16xf32>
      %gt3A_875 = arith.cmpf ogt, %convert_element_type3A_859, %gt3A_874 : vector<16xf32>
      %lt3A_876 = vector.broadcast %sub3A_707 : f32 to vector<16xf32>
      %lt3A_877 = arith.cmpf olt, %add3A_865, %lt3A_876 : vector<16xf32>
      %and3A_878 = arith.andi %gt3A_875, %lt3A_877 : vector<16xi1>
      %or3A_879 = arith.ori %gt3A_872, %and3A_878 : vector<16xi1>
      %div3A_880 = arith.divf %add3A_846, %convert_element_type3A_855 : vector<16xf32>
      %select_n3A_881 = arith.select %or3A_879, %div3A_880, %get3A_841 : vector<16xi1>, vector<16xf32>
      %swap3A_882 = arith.constant 48 : index
      %swap3A_883 = tpu.vector_load %arg9[%swap3A_882] {strides = array<i32>} : memref<128xf32, #tpu.memory_space<vmem>>, vector<16xf32>,
      tpu.vector_store %arg9[%swap3A_882], %select_n3A_881 {strides = array<i32>} : memref<128xf32, #tpu.memory_space<vmem>>, vector<16xf32>,
      %get3A_884 = arith.constant 64 : index
      %get3A_885 = tpu.vector_load %arg8[%get3A_884] {strides = array<i32>} : memref<128xf32, #tpu.memory_space<vmem>>, vector<16xf32>,
      %cumsum3A_886 = arith.constant true
      %cumsum3A_887 = vector.broadcast %cumsum3A_886 : i1 to vector<16xi1>
      %cumsum3A_888 = tpu.scan <sum>, %get3A_885 masked %cumsum3A_887 : vector<16xf32>, vector<16xi1> -> vector<16xf32>
      %add3A_889 = vector.broadcast %add3A_851 : f32 to vector<16xf32>
      %add3A_890 = arith.addf %cumsum3A_888, %add3A_889 : vector<16xf32>
      %reduce_sum3A_891 = arith.constant true
      %reduce_sum3A_892 = vector.broadcast %reduce_sum3A_891 : i1 to vector<16xi1>
      %reduce_sum3A_893 = tpu.scan <sum>, %get3A_885 masked %reduce_sum3A_892 : vector<16xf32>, vector<16xi1> -> vector<16xf32>
      %reduce_sum3A_894 = vector.extract %reduce_sum3A_893[15] : f32 from vector<16xf32>
      %add3A_895 = arith.addf %add3A_851, %reduce_sum3A_894 : f32
      %add3A_896 = arith.constant 65 : i32
      %add3A_897 = vector.broadcast %add3A_896 : i32 to vector<16xi32>
      %add3A_898 = arith.addi %iota3A, %add3A_897 : vector<16xi32>
      %convert_element_type3A_899 = arith.sitofp %add3A_898 : vector<16xi32> to vector<16xf32>
      %eq3A_900 = vector.broadcast %reduce_max3A_633 : f32 to vector<16xf32>
      %eq3A_901 = arith.cmpf oeq, %select_n3A_359, %eq3A_900 : vector<16xf32>
      %convert_element_type3A_902 = arith.extui %eq3A_901 : vector<16xi1> to vector<16xi32>
      %convert_element_type3A_903 = arith.sitofp %convert_element_type3A_902 : vector<16xi32> to vector<16xf32>
      %cumsum3A_904 = arith.constant true
      %cumsum3A_905 = vector.broadcast %cumsum3A_904 : i1 to vector<16xi1>
      %cumsum3A_906 = tpu.scan <sum>, %convert_element_type3A_903 masked %cumsum3A_905 : vector<16xf32>, vector<16xi1> -> vector<16xf32>
      %sub3A_907 = arith.subf %cumsum3A_906, %convert_element_type3A_903 : vector<16xf32>
      %add3A_908 = vector.broadcast %add3A_870 : f32 to vector<16xf32>
      %add3A_909 = arith.addf %sub3A_907, %add3A_908 : vector<16xf32>
      %reduce_max3A_910 = arith.constant true
      %reduce_max3A_911 = vector.broadcast %reduce_max3A_910 : i1 to vector<16xi1>
      %reduce_max3A_912 = tpu.scan <max>, %cumsum3A_906 masked %reduce_max3A_911 : vector<16xf32>, vector<16xi1> -> vector<16xf32>
      %reduce_max3A_913 = vector.extract %reduce_max3A_912[15] : f32 from vector<16xf32>
      %add3A_914 = arith.addf %add3A_870, %reduce_max3A_913 : f32
      %gt3A_915 = vector.broadcast %reduce_max3A_633 : f32 to vector<16xf32>
      %gt3A_916 = arith.cmpf ogt, %select_n3A_359, %gt3A_915 : vector<16xf32>
      %gt3A_917 = arith.constant 0.000000e+00 : f32
      %gt3A_918 = vector.broadcast %gt3A_917 : f32 to vector<16xf32>
      %gt3A_919 = arith.cmpf ogt, %convert_element_type3A_903, %gt3A_918 : vector<16xf32>
      %lt3A_920 = vector.broadcast %sub3A_707 : f32 to vector<16xf32>
      %lt3A_921 = arith.cmpf olt, %add3A_909, %lt3A_920 : vector<16xf32>
      %and3A_922 = arith.andi %gt3A_919, %lt3A_921 : vector<16xi1>
      %or3A_923 = arith.ori %gt3A_916, %and3A_922 : vector<16xi1>
      %div3A_924 = arith.divf %add3A_890, %convert_element_type3A_899 : vector<16xf32>
      %select_n3A_925 = arith.select %or3A_923, %div3A_924, %get3A_885 : vector<16xi1>, vector<16xf32>
      %swap3A_926 = arith.constant 64 : index
      %swap3A_927 = tpu.vector_load %arg9[%swap3A_926] {strides = array<i32>} : memref<128xf32, #tpu.memory_space<vmem>>, vector<16xf32>,
      tpu.vector_store %arg9[%swap3A_926], %select_n3A_925 {strides = array<i32>} : memref<128xf32, #tpu.memory_space<vmem>>, vector<16xf32>,
      %get3A_928 = arith.constant 80 : index
      %get3A_929 = tpu.vector_load %arg8[%get3A_928] {strides = array<i32>} : memref<128xf32, #tpu.memory_space<vmem>>, vector<16xf32>,
      %cumsum3A_930 = arith.constant true
      %cumsum3A_931 = vector.broadcast %cumsum3A_930 : i1 to vector<16xi1>
      %cumsum3A_932 = tpu.scan <sum>, %get3A_929 masked %cumsum3A_931 : vector<16xf32>, vector<16xi1> -> vector<16xf32>
      %add3A_933 = vector.broadcast %add3A_895 : f32 to vector<16xf32>
      %add3A_934 = arith.addf %cumsum3A_932, %add3A_933 : vector<16xf32>
      %reduce_sum3A_935 = arith.constant true
      %reduce_sum3A_936 = vector.broadcast %reduce_sum3A_935 : i1 to vector<16xi1>
      %reduce_sum3A_937 = tpu.scan <sum>, %get3A_929 masked %reduce_sum3A_936 : vector<16xf32>, vector<16xi1> -> vector<16xf32>
      %reduce_sum3A_938 = vector.extract %reduce_sum3A_937[15] : f32 from vector<16xf32>
      %add3A_939 = arith.addf %add3A_895, %reduce_sum3A_938 : f32
      %add3A_940 = arith.constant 81 : i32
      %add3A_941 = vector.broadcast %add3A_940 : i32 to vector<16xi32>
      %add3A_942 = arith.addi %iota3A, %add3A_941 : vector<16xi32>
      %convert_element_type3A_943 = arith.sitofp %add3A_942 : vector<16xi32> to vector<16xf32>
      %eq3A_944 = vector.broadcast %reduce_max3A_633 : f32 to vector<16xf32>
      %eq3A_945 = arith.cmpf oeq, %select_n3A_369, %eq3A_944 : vector<16xf32>
      %convert_element_type3A_946 = arith.extui %eq3A_945 : vector<16xi1> to vector<16xi32>
      %convert_element_type3A_947 = arith.sitofp %convert_element_type3A_946 : vector<16xi32> to vector<16xf32>
      %cumsum3A_948 = arith.constant true
      %cumsum3A_949 = vector.broadcast %cumsum3A_948 : i1 to vector<16xi1>
      %cumsum3A_950 = tpu.scan <sum>, %convert_element_type3A_947 masked %cumsum3A_949 : vector<16xf32>, vector<16xi1> -> vector<16xf32>
      %sub3A_951 = arith.subf %cumsum3A_950, %convert_element_type3A_947 : vector<16xf32>
      %add3A_952 = vector.broadcast %add3A_914 : f32 to vector<16xf32>
      %add3A_953 = arith.addf %sub3A_951, %add3A_952 : vector<16xf32>
      %reduce_max3A_954 = arith.constant true
      %reduce_max3A_955 = vector.broadcast %reduce_max3A_954 : i1 to vector<16xi1>
      %reduce_max3A_956 = tpu.scan <max>, %cumsum3A_950 masked %reduce_max3A_955 : vector<16xf32>, vector<16xi1> -> vector<16xf32>
      %reduce_max3A_957 = vector.extract %reduce_max3A_956[15] : f32 from vector<16xf32>
      %add3A_958 = arith.addf %add3A_914, %reduce_max3A_957 : f32
      %gt3A_959 = vector.broadcast %reduce_max3A_633 : f32 to vector<16xf32>
      %gt3A_960 = arith.cmpf ogt, %select_n3A_369, %gt3A_959 : vector<16xf32>
      %gt3A_961 = arith.constant 0.000000e+00 : f32
      %gt3A_962 = vector.broadcast %gt3A_961 : f32 to vector<16xf32>
      %gt3A_963 = arith.cmpf ogt, %convert_element_type3A_947, %gt3A_962 : vector<16xf32>
      %lt3A_964 = vector.broadcast %sub3A_707 : f32 to vector<16xf32>
      %lt3A_965 = arith.cmpf olt, %add3A_953, %lt3A_964 : vector<16xf32>
      %and3A_966 = arith.andi %gt3A_963, %lt3A_965 : vector<16xi1>
      %or3A_967 = arith.ori %gt3A_960, %and3A_966 : vector<16xi1>
      %div3A_968 = arith.divf %add3A_934, %convert_element_type3A_943 : vector<16xf32>
      %select_n3A_969 = arith.select %or3A_967, %div3A_968, %get3A_929 : vector<16xi1>, vector<16xf32>
      %swap3A_970 = arith.constant 80 : index
      %swap3A_971 = tpu.vector_load %arg9[%swap3A_970] {strides = array<i32>} : memref<128xf32, #tpu.memory_space<vmem>>, vector<16xf32>,
      tpu.vector_store %arg9[%swap3A_970], %select_n3A_969 {strides = array<i32>} : memref<128xf32, #tpu.memory_space<vmem>>, vector<16xf32>,
      %get3A_972 = arith.constant 96 : index
      %get3A_973 = tpu.vector_load %arg8[%get3A_972] {strides = array<i32>} : memref<128xf32, #tpu.memory_space<vmem>>, vector<16xf32>,
      %cumsum3A_974 = arith.constant true
      %cumsum3A_975 = vector.broadcast %cumsum3A_974 : i1 to vector<16xi1>
      %cumsum3A_976 = tpu.scan <sum>, %get3A_973 masked %cumsum3A_975 : vector<16xf32>, vector<16xi1> -> vector<16xf32>
      %add3A_977 = vector.broadcast %add3A_939 : f32 to vector<16xf32>
      %add3A_978 = arith.addf %cumsum3A_976, %add3A_977 : vector<16xf32>
      %reduce_sum3A_979 = arith.constant true
      %reduce_sum3A_980 = vector.broadcast %reduce_sum3A_979 : i1 to vector<16xi1>
      %reduce_sum3A_981 = tpu.scan <sum>, %get3A_973 masked %reduce_sum3A_980 : vector<16xf32>, vector<16xi1> -> vector<16xf32>
      %reduce_sum3A_982 = vector.extract %reduce_sum3A_981[15] : f32 from vector<16xf32>
      %add3A_983 = arith.addf %add3A_939, %reduce_sum3A_982 : f32
      %add3A_984 = arith.constant 97 : i32
      %add3A_985 = vector.broadcast %add3A_984 : i32 to vector<16xi32>
      %add3A_986 = arith.addi %iota3A, %add3A_985 : vector<16xi32>
      %convert_element_type3A_987 = arith.sitofp %add3A_986 : vector<16xi32> to vector<16xf32>
      %eq3A_988 = vector.broadcast %reduce_max3A_633 : f32 to vector<16xf32>
      %eq3A_989 = arith.cmpf oeq, %select_n3A_379, %eq3A_988 : vector<16xf32>
      %convert_element_type3A_990 = arith.extui %eq3A_989 : vector<16xi1> to vector<16xi32>
      %convert_element_type3A_991 = arith.sitofp %convert_element_type3A_990 : vector<16xi32> to vector<16xf32>
      %cumsum3A_992 = arith.constant true
      %cumsum3A_993 = vector.broadcast %cumsum3A_992 : i1 to vector<16xi1>
      %cumsum3A_994 = tpu.scan <sum>, %convert_element_type3A_991 masked %cumsum3A_993 : vector<16xf32>, vector<16xi1> -> vector<16xf32>
      %sub3A_995 = arith.subf %cumsum3A_994, %convert_element_type3A_991 : vector<16xf32>
      %add3A_996 = vector.broadcast %add3A_958 : f32 to vector<16xf32>
      %add3A_997 = arith.addf %sub3A_995, %add3A_996 : vector<16xf32>
      %reduce_max3A_998 = arith.constant true
      %reduce_max3A_999 = vector.broadcast %reduce_max3A_998 : i1 to vector<16xi1>
      %reduce_max3A_1000 = tpu.scan <max>, %cumsum3A_994 masked %reduce_max3A_999 : vector<16xf32>, vector<16xi1> -> vector<16xf32>
      %reduce_max3A_1001 = vector.extract %reduce_max3A_1000[15] : f32 from vector<16xf32>
      %add3A_1002 = arith.addf %add3A_958, %reduce_max3A_1001 : f32
      %gt3A_1003 = vector.broadcast %reduce_max3A_633 : f32 to vector<16xf32>
      %gt3A_1004 = arith.cmpf ogt, %select_n3A_379, %gt3A_1003 : vector<16xf32>
      %gt3A_1005 = arith.constant 0.000000e+00 : f32
      %gt3A_1006 = vector.broadcast %gt3A_1005 : f32 to vector<16xf32>
      %gt3A_1007 = arith.cmpf ogt, %convert_element_type3A_991, %gt3A_1006 : vector<16xf32>
      %lt3A_1008 = vector.broadcast %sub3A_707 : f32 to vector<16xf32>
      %lt3A_1009 = arith.cmpf olt, %add3A_997, %lt3A_1008 : vector<16xf32>
      %and3A_1010 = arith.andi %gt3A_1007, %lt3A_1009 : vector<16xi1>
      %or3A_1011 = arith.ori %gt3A_1004, %and3A_1010 : vector<16xi1>
      %div3A_1012 = arith.divf %add3A_978, %convert_element_type3A_987 : vector<16xf32>
      %select_n3A_1013 = arith.select %or3A_1011, %div3A_1012, %get3A_973 : vector<16xi1>, vector<16xf32>
      %swap3A_1014 = arith.constant 96 : index
      %swap3A_1015 = tpu.vector_load %arg9[%swap3A_1014] {strides = array<i32>} : memref<128xf32, #tpu.memory_space<vmem>>, vector<16xf32>,
      tpu.vector_store %arg9[%swap3A_1014], %select_n3A_1013 {strides = array<i32>} : memref<128xf32, #tpu.memory_space<vmem>>, vector<16xf32>,
      %get3A_1016 = arith.constant 112 : index
      %get3A_1017 = tpu.vector_load %arg8[%get3A_1016] {strides = array<i32>} : memref<128xf32, #tpu.memory_space<vmem>>, vector<16xf32>,
      %cumsum3A_1018 = arith.constant true
      %cumsum3A_1019 = vector.broadcast %cumsum3A_1018 : i1 to vector<16xi1>
      %cumsum3A_1020 = tpu.scan <sum>, %get3A_1017 masked %cumsum3A_1019 : vector<16xf32>, vector<16xi1> -> vector<16xf32>
      %add3A_1021 = vector.broadcast %add3A_983 : f32 to vector<16xf32>
      %add3A_1022 = arith.addf %cumsum3A_1020, %add3A_1021 : vector<16xf32>
      %reduce_sum3A_1023 = arith.constant true
      %reduce_sum3A_1024 = vector.broadcast %reduce_sum3A_1023 : i1 to vector<16xi1>
      %reduce_sum3A_1025 = tpu.scan <sum>, %get3A_1017 masked %reduce_sum3A_1024 : vector<16xf32>, vector<16xi1> -> vector<16xf32>
      %reduce_sum3A_1026 = vector.extract %reduce_sum3A_1025[15] : f32 from vector<16xf32>
      %add3A_1027 = arith.addf %add3A_983, %reduce_sum3A_1026 : f32
      %add3A_1028 = arith.constant 113 : i32
      %add3A_1029 = vector.broadcast %add3A_1028 : i32 to vector<16xi32>
      %add3A_1030 = arith.addi %iota3A, %add3A_1029 : vector<16xi32>
      %convert_element_type3A_1031 = arith.sitofp %add3A_1030 : vector<16xi32> to vector<16xf32>
      %eq3A_1032 = vector.broadcast %reduce_max3A_633 : f32 to vector<16xf32>
      %eq3A_1033 = arith.cmpf oeq, %select_n3A_389, %eq3A_1032 : vector<16xf32>
      %convert_element_type3A_1034 = arith.extui %eq3A_1033 : vector<16xi1> to vector<16xi32>
      %convert_element_type3A_1035 = arith.sitofp %convert_element_type3A_1034 : vector<16xi32> to vector<16xf32>
      %cumsum3A_1036 = arith.constant true
      %cumsum3A_1037 = vector.broadcast %cumsum3A_1036 : i1 to vector<16xi1>
      %cumsum3A_1038 = tpu.scan <sum>, %convert_element_type3A_1035 masked %cumsum3A_1037 : vector<16xf32>, vector<16xi1> -> vector<16xf32>
      %sub3A_1039 = arith.subf %cumsum3A_1038, %convert_element_type3A_1035 : vector<16xf32>
      %add3A_1040 = vector.broadcast %add3A_1002 : f32 to vector<16xf32>
      %add3A_1041 = arith.addf %sub3A_1039, %add3A_1040 : vector<16xf32>
      %reduce_max3A_1042 = arith.constant true
      %reduce_max3A_1043 = vector.broadcast %reduce_max3A_1042 : i1 to vector<16xi1>
      %reduce_max3A_1044 = tpu.scan <max>, %cumsum3A_1038 masked %reduce_max3A_1043 : vector<16xf32>, vector<16xi1> -> vector<16xf32>
      %reduce_max3A_1045 = vector.extract %reduce_max3A_1044[15] : f32 from vector<16xf32>
      %add3A_1046 = arith.addf %add3A_1002, %reduce_max3A_1045 : f32
      %gt3A_1047 = vector.broadcast %reduce_max3A_633 : f32 to vector<16xf32>
      %gt3A_1048 = arith.cmpf ogt, %select_n3A_389, %gt3A_1047 : vector<16xf32>
      %gt3A_1049 = arith.constant 0.000000e+00 : f32
      %gt3A_1050 = vector.broadcast %gt3A_1049 : f32 to vector<16xf32>
      %gt3A_1051 = arith.cmpf ogt, %convert_element_type3A_1035, %gt3A_1050 : vector<16xf32>
      %lt3A_1052 = vector.broadcast %sub3A_707 : f32 to vector<16xf32>
      %lt3A_1053 = arith.cmpf olt, %add3A_1041, %lt3A_1052 : vector<16xf32>
      %and3A_1054 = arith.andi %gt3A_1051, %lt3A_1053 : vector<16xi1>
      %or3A_1055 = arith.ori %gt3A_1048, %and3A_1054 : vector<16xi1>
      %div3A_1056 = arith.divf %add3A_1022, %convert_element_type3A_1031 : vector<16xf32>
      %select_n3A_1057 = arith.select %or3A_1055, %div3A_1056, %get3A_1017 : vector<16xi1>, vector<16xf32>
      %swap3A_1058 = arith.constant 112 : index
      %swap3A_1059 = tpu.vector_load %arg9[%swap3A_1058] {strides = array<i32>} : memref<128xf32, #tpu.memory_space<vmem>>, vector<16xf32>,
      tpu.vector_store %arg9[%swap3A_1058], %select_n3A_1057 {strides = array<i32>} : memref<128xf32, #tpu.memory_space<vmem>>, vector<16xf32>,
      "tpu.region"() ({
        %run_scoped3A = tpu.sem_alloc : memref<!tpu.dma_semaphore, #tpu.memory_space<semaphore_mem>>
        %dma_start3A_1060 = arith.constant 0 : i32
        %dma_start3A_1061 = tpu.memref_slice %arg5[%add3A, %dma_start3A_1060] : memref<8x128xf32, #tpu.memory_space<hbm>> -> memref<1x128xf32, #tpu.memory_space<hbm>>
        %dma_start3A_1062 = tpu.memref_squeeze %dma_start3A_1061 : memref<1x128xf32, #tpu.memory_space<hbm>> -> memref<128xf32, #tpu.memory_space<hbm>>
        %dma_start3A_1063 = arith.constant 0 : i32
        %dma_start3A_1064 = tpu.memref_slice %arg5[%add3A, %dma_start3A_1063] : memref<8x128xf32, #tpu.memory_space<hbm>> -> memref<1x128xf32, #tpu.memory_space<hbm>>
        %dma_start3A_1065 = tpu.memref_squeeze %dma_start3A_1064 : memref<1x128xf32, #tpu.memory_space<hbm>> -> memref<128xf32, #tpu.memory_space<hbm>>
        tpu.enqueue_dma source(%arg9 : memref<128xf32, #tpu.memory_space<vmem>>) target(%dma_start3A_1065 : memref<128xf32, #tpu.memory_space<hbm>>) target_semaphore(%run_scoped3A : memref<!tpu.dma_semaphore, #tpu.memory_space<semaphore_mem>>)
        %dma_wait3A_1066 = arith.constant 0 : i32
        %dma_wait3A_1067 = tpu.memref_slice %arg5[%add3A, %dma_wait3A_1066] : memref<8x128xf32, #tpu.memory_space<hbm>> -> memref<1x128xf32, #tpu.memory_space<hbm>>
        %dma_wait3A_1068 = tpu.memref_squeeze %dma_wait3A_1067 : memref<1x128xf32, #tpu.memory_space<hbm>> -> memref<128xf32, #tpu.memory_space<hbm>>
        %dma_wait3A_1069 = arith.constant 0 : i32
        %dma_wait3A_1070 = tpu.memref_slice %arg5[%add3A, %dma_wait3A_1069] : memref<8x128xf32, #tpu.memory_space<hbm>> -> memref<1x128xf32, #tpu.memory_space<hbm>>
        %dma_wait3A_1071 = tpu.memref_squeeze %dma_wait3A_1070 : memref<1x128xf32, #tpu.memory_space<hbm>> -> memref<128xf32, #tpu.memory_space<hbm>>
        tpu.wait_dma2 semaphore(%run_scoped3A : memref<!tpu.dma_semaphore, #tpu.memory_space<semaphore_mem>>) src(%arg9 : memref<128xf32, #tpu.memory_space<vmem>>) dst(%dma_wait3A_1071 : memref<128xf32, #tpu.memory_space<hbm>>)
        tpu.yield
      }) : () -> ()
    } else {
    }
    return
  }
}

</mosaic_0001>

<sc_bundles>
// kernel: kernel.3.cloned.1.call-start
scs
__scs_entry_jumppad:
0x0: {  	(pc) =	sbr.rel $0x88, $3  }
0x1: {  	(tag) =	ssettag $0x0;
	lr =	simm.s32 $0x1  }
0x2: {  	[smem:$0x3F9E] =	sst lr;
	_ =	strace $0xD0000000  }
0x3: {  	_ = 	snop  }
0x4: {  	_ = 	snop  }
0x5: {  	_ = 	snop  }
0x6: {  	_ = 	snop  }
0x7: {  	_ = 	snop  }
__scs_overlays_trampoline_lowered:
0x8: {  	[smem:$0x3FAD] =	sst s0  }
0x9: {  	[smem:$0x3FAE] =	sst s1  }
0xa: {  	[smem:$0x3FAF] =	sst s2  }
0xb: {  	[smem:$0x3FB0] =	sst s3  }
0xc: {  	[smem:$0x3FB1] =	sst s4  }
0xd: {  	[smem:$0x3FB2] =	sst s5  }
0xe: {  	[smem:$0x3FB3] =	sst s6  }
0xf: {  	[smem:$0x3FB4] =	sst s7  }
0x10: {  	[smem:$0x3FB5] =	sst s8  }
0x11: {  	[smem:$0x3FB6] =	sst s9;
	s0 =	simm.s32 @!p0 $0x0  }
0x12: {  	s1 =	sld [smem:$0x3F9C];
	s0 =	simm.s32 @p0 $0x1  }
0x13: {  	[smem:$0x3FB7] =	sst s0;
	s0 =	simm.s32 @!p1 $0x0  }
0x14: {  	s2 =	sld [smem:$0x3F9B];
	s0 =	simm.s32 @p1 $0x1  }
0x15: {  	[smem:$0x3FB8] =	sst s0;
	s0 =	simm.s32 @!p2 $0x0  }
0x16: {  	s3 =	sld [smem:$0x3FDB];
	s0 =	simm.s32 @p2 $0x1  }
0x17: {  	s4 =	simm.s32 $0x1BF5;
	[smem:$0x3FBA] =	sst s0  }
0x18: {  	s0 =	sld [smem:$0x3F9D];
	_ =	swait.ge [sflag:s4], $0x0  }
0x19: {  	s7 =	sld [smem:$0x3F9E]  }
0x1a: {  	s8 =	sadd.s32 $0xFFFFE003, lr  }
0x1b: {  	s9 =	sadd.s32 $0xFFFFFEF7, lr;
	s5 =	simm.s32 $0xFFFFFFFF;
	p2 =	slt.u32 s8, $0xFFFFF086  }
0x1c: {  	p1 =	slt.u32 s9, $0xF7A;
	s5 =	simm.s32 @!p2 $0x0  }
0x1d: {  	s5 =	simm.s32 @p1 $0x1;
	p0 =	seq.s32 s7, s2  }
0x1e: {  	s7 =	smul.u32 @!p0 $0xF7A, s2;
	p2 =	seq.s32 @!p0 s5, $0x0  }
0x1f: {  	s9 =	smul.u32 $0xF7A, s1;
	s8 =	simm.s32 @!p0 $0x1BF5;
	p2 =	por !p2, p0  }
0x20: {  	[sflag:s8] =	ssyncset.s32 @!p0 $0xFFFFF086;
	s6 =	sadd.s32 @!p0 s3, s7;
	s7 =	simm.s32 @!p0 $0x108  }
0x21: {  	s3 =	sadd.s32 s3, s9;
	s6 =	sadd.s32 @!p0 $0x88, s6;
	s7 =	simm.s32 @p2 $0x1082  }
0x22: {  	[simem:s7], [sflag:s8] =	dma.local @!p0 [hbm:s6], $0xF7A  }
0x23: {  	s9 =	sor.u32 $0xD0000000, s2;
	s6 =	simm.s32 $0x108;
	_ =	swait.ge @!p0 [sflag:s8], $0x0  }
0x24: {  	s3 =	sadd.s32 $0x88, s3;
	s6 =	simm.s32 @!p1 $0x1082;
	[sflag:s4] =	ssyncset.s32 $0xFFFFF086  }
0x25: {  	[simem:s6], [sflag:s4] =	dma.local [hbm:s3], $0xF7A  }
0x26: {  	[smem:$0x3F9E] =	sst s1;
	(tag) =	ssettag s2;
	_ =	strace s9  }
0x27: {  	s1 =	sld [smem:$0x3FAE]  }
0x28: {  	s2 =	sld [smem:$0x3FAF]  }
0x29: {  	s4 =	sld [smem:$0x3FB1]  }
0x2a: {  	p0 =	seq.s32 s5, $0x0;
	s5 =	sld [smem:$0x3FB2]  }
0x2b: {  	s6 =	sld [smem:$0x3FB3]  }
0x2c: {  	s7 =	sld [smem:$0x3FB4]  }
0x2d: {  	s3 =	simm.s32 $0x108;
	s8 =	sld [smem:$0x3FB5]  }
0x2e: {  	s3 =	simm.s32 @!p0 $0x1082;
	s9 =	sld [smem:$0x3FB6]  }
0x2f: {  	lr =	sadd.s32 s0, s3;
	s0 =	sld [smem:$0x3FAD]  }
0x30: {  	s3 =	sld [smem:$0x3FB0]  }
0x31: {  	[smem:$0x3FB9] =	sst s10  }
0x32: {  	s10 =	sld [smem:$0x3FB7];
	_ =	sdelay $0x3  }
0x33: {  	p0 =	seq.s32 s10, $0x1;
	s10 =	sld [smem:$0x3FB9];
	_ =	sdelay $0x3  }
0x34: {  	[smem:$0x3FB9] =	sst s10  }
0x35: {  	s10 =	sld [smem:$0x3FB8];
	_ =	sdelay $0x3  }
0x36: {  	p1 =	seq.s32 s10, $0x1;
	s10 =	sld [smem:$0x3FB9];
	_ =	sdelay $0x3  }
0x37: {  	[smem:$0x3FB9] =	sst s10  }
0x38: {  	s10 =	sld [smem:$0x3FBA]  }
0x39: {  	_ = 	snop;
	(pc) =	sbr.ind lr, $3  }
0x3a: {  	_ = 	snop  }
0x3b: {  	_ = 	snop  }
0x3c: {  	p2 =	seq.s32 s10, $0x1;
	s10 =	sld [smem:$0x3FB9]  }
0x3d: {  	_ =	shalt  }
0x3e: {  	_ =	shalt  }
0x3f: {  	_ =	shalt  }
0x40: {  	_ =	shalt  }
0x41: {  	_ =	shalt  }
0x42: {  	_ =	shalt  }
0x43: {  	_ =	shalt  }
0x44: {  	_ =	shalt  }
0x45: {  	_ =	shalt  }
0x46: {  	_ =	shalt  }
0x47: {  	_ =	shalt  }
0x48: {  	_ =	shalt  }
0x49: {  	_ =	shalt  }
0x4a: {  	_ =	shalt  }
0x4b: {  	_ =	shalt  }
0x4c: {  	_ =	shalt  }
0x4d: {  	_ =	shalt  }
0x4e: {  	_ =	shalt  }
0x4f: {  	_ =	shalt  }
0x50: {  	_ =	shalt  }
0x51: {  	_ =	shalt  }
0x52: {  	_ =	shalt  }
0x53: {  	_ =	shalt  }
0x54: {  	_ =	shalt  }
0x55: {  	_ =	shalt  }
0x56: {  	_ =	shalt  }
0x57: {  	_ =	shalt  }
0x58: {  	_ =	shalt  }
0x59: {  	_ =	shalt  }
0x5a: {  	_ =	shalt  }
0x5b: {  	_ =	shalt  }
0x5c: {  	_ =	shalt  }
0x5d: {  	_ =	shalt  }
0x5e: {  	_ =	shalt  }
0x5f: {  	_ =	shalt  }
0x60: {  	_ =	shalt  }
0x61: {  	_ =	shalt  }
0x62: {  	_ =	shalt  }
0x63: {  	_ =	shalt  }
0x64: {  	_ =	shalt  }
0x65: {  	_ =	shalt  }
0x66: {  	_ =	shalt  }
0x67: {  	_ =	shalt  }
0x68: {  	_ =	shalt  }
0x69: {  	_ =	shalt  }
0x6a: {  	_ =	shalt  }
0x6b: {  	_ =	shalt  }
0x6c: {  	_ =	shalt  }
0x6d: {  	_ =	shalt  }
0x6e: {  	_ =	shalt  }
0x6f: {  	_ =	shalt  }
0x70: {  	_ =	shalt  }
0x71: {  	_ =	shalt  }
0x72: {  	_ =	shalt  }
0x73: {  	_ =	shalt  }
0x74: {  	_ =	shalt  }
0x75: {  	_ =	shalt  }
0x76: {  	_ =	shalt  }
0x77: {  	_ =	shalt  }
0x78: {  	_ =	shalt  }
0x79: {  	_ =	shalt  }
0x7a: {  	_ =	shalt  }
0x7b: {  	_ =	shalt  }
0x7c: {  	_ =	shalt  }
0x7d: {  	_ =	shalt  }
0x7e: {  	_ =	shalt  }
0x7f: {  	_ =	shalt  }
0x80: {  	_ =	shalt  }
0x81: {  	_ =	shalt  }
0x82: {  	_ =	shalt  }
0x83: {  	_ =	shalt  }
0x84: {  	_ =	shalt  }
0x85: {  	_ =	shalt  }
0x86: {  	_ =	shalt  }
0x87: {  	_ =	shalt  }
.Lfunc_end0:
.L_simem_size_0:
called_computation_lowered:
.L_overlay_start_0:
0x88: {  	s0 =	sld [smem:$0x3FD9]  }
0x89: {  	s1 =	sld [smem:$0x3FFE];
	_ =	sdelay $0x3  }
0x8a: {  	s0 =	sadd.s32 s1, s0  }
0x8b: {  	[smem:$0x3FC5] =	sst s0  }
0x8c: {  	_ = 	snop  }
0x8d: {  	s0 =	sld [smem:$0x3FD0];
	(tm) =	ssettm $0x1  }
0x8e: {  	s16 =	sld [smem:$0x3FFB];
	_ =	sdelay $0x3  }
0x8f: {  	_ =	strace s16  }
0x90: {  	s1 =	sld [smem:$0x3FFC];
	_ =	sdelay $0x3  }
0x91: {  	_ =	strace s1  }
0x92: {  	s1 =	sld [smem:$0x3FFD];
	_ =	sdelay $0x3  }
0x93: {  	_ =	strace s1  }
0x94: {  	_ =	strace $0x8FFFFFFF  }
0x95: {  	s17 =	sld [smem:$0x3FDB];
	_ =	sdelay $0x1  }
0x96: {  	s2 =	simm.s32 $_scs_section_size  }
0x97: {  	s3 =	simm.s32 $_size__tile_overlayer_lowered;
	s4 =	simm.s32 $_tile_overlayer_lowered  }
0x98: {  	s20 =	simm.s32 $0x1BFF;
	s19 =	sshll.u32 s4, $0x1;
	s1 =	sadd.s32 s2, s17  }
0x99: {  	s5 =	simm.s32 $0x0;
	s18 =	sshll.u32 s3, $0x1;
	s3 =	sadd.s32 s19, s1  }
0x9a: {  	[timem:s5], [sflag:s20] =	dma.local [hbm:s3], s18  }
0x9b: {  	_ =	swait.ge [sflag:s20], s18  }
0x9c: {  	s2 =	ssub.s32 $0x0, s18;
	[sflag:s20] =	ssyncset.done $0x0  }
0x9d: {  	[sflag:s20] =	ssyncadd.s32 s2;
	_ =	sdelay $0x1  }
0x9e: {  	s21 =	simm.s32 $0x1B8B  }
0x9f: {  	_ =	swait.ge [sflag:s21], $0x1  }
0xa0: {  	[sflag:s21] =	ssyncset.done $0x0  }
0xa1: {  	s23 =	simm.s32 $0x1B8E;
	s22 =	sld [smem:$0x3FFE];
	[sflag:s21] =	ssyncadd.s32 $0xFFFFFFFF  }
0xa2: {  	s24 =	simm.s32 $execute0_lowered;
	[smem:$0x3FD2] =	sst s23  }
0xa3: {  	s3 =	sshll.u32 s24, $0x1;
	_ =	strace $0x80000046;
	[dreg:$0x1] =	wrdreg $0xFFFFFFFF  }
0xa4: {  	s25 =	simm.s32 $_size_execute0_lowered;
	s1 =	sadd.s32 s1, s3;
	[dreg:$0x0] =	wrdreg $0x0  }
0xa5: {  	s3 =	sshll.u32 s25, $0x1;
	[dreg:$0x2] =	wrdreg s1  }
0xa6: {  	[dreg:$0x3] =	wrdreg s3  }
0xa7: {  	[dreg:$0x4] =	wrdreg $0xC0  }
0xa8: {  	_ =	task [dreg:s5], $0x5FFFF  }
0xa9: {  	[dreg:$0x1] =	wrdreg $0xFFFFFFFF  }
0xaa: {  	[dreg:$0x0] =	wrdreg $0x60  }
0xab: {  	[dreg:$0x2] =	wrdreg s22  }
0xac: {  	[dreg:$0x3] =	wrdreg s0  }
0xad: {  	[dreg:$0x4] =	wrdreg $0x9  }
0xae: {  	_ =	task.clear_ibuf [dreg:s5], $0x5FFFF;
	_ =	strace $0x90000046  }
0xaf: {  	s26 =	simm.s32 $0x9;
	_ =	strace $0x80000048  }
0xb0: {  	_ =	swait.ge [sflag:s26], $0x1  }
0xb1: {  	[sflag:s26] =	ssyncadd.s32 $0xFFFFFFFF  }
0xb2: {  	_ =	strace $0x90000048  }
0xb3: {  	_ =	sfence  }
0xb4: {  	s28 =	sld [smem:$0x0];
	_ =	sdelay $0x1  }
0xb5: {  	s29 =	srdreg.scid  }
0xb6: {  	s30 =	sshll.u32 s29, $0xD;
	s31 =	sshrl.u32 s29, $0x2  }
0xb7: {  	s2 =	sand.u32 $0x4000, s30;
	s1 =	sand.u32 $0x1, s29;
	s0 =	sadd.s32 s31, s28  }
0xb8: {  	s1 =	sor.u32 s2, s1;
	s0 =	sshll.u32 s0, $0x11  }
0xb9: {  	s0 =	sor.u32 s0, s1  }
0xba: {  	s0 =	sadd.s32 $0x8F2B, s0  }
0xbb: {  	[sflag:s0] =	ssyncadd.remote.s32 $0x1  }
0xbc: {  	_ =	sfence.sel $0xFFFF  }
0xbd: {  	[dreg:$0x0] =	wrdreg $0xFFFFFFFF;
	(pc) =	sbr.abs _section_cstart, $3  }
0xbe: {  	[dreg:$0x1] =	wrdreg $0xFFFFFFFF  }
0xbf: {  	_ =	task.clear_ibuf [dreg:s5], $0x2FFFF;
	_ =	strace $0x9FFFFFFF  }
0xc0: {  	(tm) =	ssettm $0x7FFFFFFF  }
0xc1: {  	_ =	shalt  }
tec
execute0_lowered:
.L_overlay_start_1:
0x0: {  	(tag) =	ssettag $0x1  }
0x1: {  	s1 =	stileid.u32  }
0x2: {  	p0 =	sgt.u32 s1, $0x7  }
.Ltmp0:
0x3: {  	_ = 	snop;
	(pc) =	sbr.rel @p0 .LBB2_2-.Ltmp0, $4  }
0x4: {  	s5 =	rddreg [dreg:$0x0]  }
0x5: {  	s3 =	rddreg [dreg:$0x1];
	s2 =	simm.s32 $0x0  }
0x6: {  	[smem:$0x7FF] =	sst s2  }
0x7: {  	s0 =	rddreg [dreg:$0x2];
	_ =	strace $0x80000047  }
0x8: {  	v0 =	vimm.f32 $1.600000000e+01  }
0x9: {  	vm1 =	vcmask $0x300;
	vm12 =	vcmask $0x704;
	v1 =	vimm.f32 $3.200000000e+01  }
0xa: {  	vm3 =	vcmask $0xB08;
	vm0 =	vcmask $0xF0C;
	vm2 =	vcmask $0x1310  }
0xb: {  	vm6 =	vcmask $0x1714;
	vm4 =	vcmask $0x1B18;
	vm8 =	vcmask $0x1F1C  }
0xc: {  	vm13 =	vcmask $0x2320;
	vm14 =	vcmask $0x2724;
	vm10 =	vcmask $0x2B28  }
0xd: {  	vm5 =	vcmask $0x2F2C;
	vm9 =	vcmask $0x3330;
	vm7 =	vcmask $0x3734  }
0xe: {  	vm11 =	vcmask $0x3B38;
	v0 =	vsel vm1, $0x3F800000, v0;
	v1 =	vsel vm1, $0x41880000, v1  }
0xf: {  	v31 =	vimm.f32 $4.800000000e+01;
	v0 =	vsel vm12, $0x40000000, v0;
	v1 =	vsel vm12, $0x41900000, v1  }
0x10: {  	v33 =	vimm.f32 $6.400000000e+01;
	v0 =	vsel vm3, $0x40400000, v0;
	v1 =	vsel vm3, $0x41980000, v1  }
0x11: {  	v2 =	vimm.f32 $8.000000000e+01;
	v0 =	vsel vm0, $0x40800000, v0;
	v1 =	vsel vm0, $0x41A00000, v1  }
0x12: {  	v37 =	vimm.f32 $9.600000000e+01;
	v0 =	vsel vm2, $0x40A00000, v0;
	v1 =	vsel vm2, $0x41A80000, v1  }
0x13: {  	v39 =	vimm.f32 $1.120000000e+02;
	v0 =	vsel vm6, $0x40C00000, v0;
	v1 =	vsel vm6, $0x41B00000, v1  }
0x14: {  	v40 =	vimm.f32 $1.280000000e+02;
	v0 =	vsel vm4, $0x40E00000, v0;
	v1 =	vsel vm4, $0x41B80000, v1  }
0x15: {  	v32 =	vsel vm1, $0x42040000, v31;
	v0 =	vsel vm8, $0x41000000, v0;
	v1 =	vsel vm8, $0x41C00000, v1  }
0x16: {  	v2 =	vsel vm1, $0x42820000, v2;
	v0 =	vsel vm13, $0x41100000, v0;
	v1 =	vsel vm13, $0x41C80000, v1  }
0x17: {  	v38 =	vsel vm1, $0x42A20000, v37;
	v0 =	vsel vm14, $0x41200000, v0;
	v1 =	vsel vm14, $0x41D00000, v1  }
0x18: {  	v2 =	vsel vm12, $0x42840000, v2;
	v0 =	vsel vm10, $0x41300000, v0;
	v1 =	vsel vm10, $0x41D80000, v1  }
0x19: {  	v2 =	vsel vm3, $0x42860000, v2;
	v0 =	vsel vm5, $0x41400000, v0;
	v1 =	vsel vm5, $0x41E00000, v1  }
0x1a: {  	v2 =	vsel vm0, $0x42880000, v2;
	v0 =	vsel vm9, $0x41500000, v0;
	v1 =	vsel vm9, $0x41E80000, v1  }
0x1b: {  	v2 =	vsel vm2, $0x428A0000, v2;
	v0 =	vsel vm7, $0x41600000, v0;
	v1 =	vsel vm7, $0x41F00000, v1  }
0x1c: {  	v0 =	vsel vm11, $0x41700000, v0;
	v30 =	vsel vm11, $0x41F80000, v1;
	v1 =	vsel vm1, $0x42440000, v33  }
0x1d: {  	(erf) = vrcp.f32 v0;
	v0 =	vsel vm12, $0x42080000, v32;
	v1 =	vsel vm12, $0x42480000, v1  }
0x1e: {  	v2 =	vsel vm6, $0x428C0000, v2;
	v0 =	vsel vm3, $0x420C0000, v0;
	v1 =	vsel vm3, $0x424C0000, v1  }
0x1f: {  	v2 =	vsel vm4, $0x428E0000, v2;
	v0 =	vsel vm0, $0x42100000, v0;
	v1 =	vsel vm0, $0x42500000, v1  }
0x20: {  	v2 =	vsel vm8, $0x42900000, v2;
	v0 =	vsel vm2, $0x42140000, v0;
	v1 =	vsel vm2, $0x42540000, v1  }
0x21: {  	v2 =	vsel vm13, $0x42920000, v2;
	v0 =	vsel vm6, $0x42180000, v0;
	v1 =	vsel vm6, $0x42580000, v1  }
0x22: {  	v2 =	vsel vm14, $0x42940000, v2;
	v0 =	vsel vm4, $0x421C0000, v0;
	v1 =	vsel vm4, $0x425C0000, v1  }
0x23: {  	v2 =	vsel vm10, $0x42960000, v2;
	v0 =	vsel vm8, $0x42200000, v0;
	v1 =	vsel vm8, $0x42600000, v1  }
0x24: {  	v2 =	vsel vm5, $0x42980000, v2;
	v0 =	vsel vm13, $0x42240000, v0;
	v1 =	vsel vm13, $0x42640000, v1  }
0x25: {  	v2 =	vsel vm9, $0x429A0000, v2;
	v0 =	vsel vm14, $0x42280000, v0;
	v1 =	vsel vm14, $0x42680000, v1  }
0x26: {  	v35 =	vsel vm7, $0x429C0000, v2;
	v0 =	vsel vm10, $0x422C0000, v0;
	v1 =	vsel vm10, $0x426C0000, v1  }
0x27: {  	v2 =	vsel vm1, $0x42E20000, v40;
	v0 =	vsel vm5, $0x42300000, v0;
	v1 =	vsel vm5, $0x42700000, v1  }
0x28: {  	v36 =	vsel vm11, $0x429E0000, v35;
	v0 =	vsel vm9, $0x42340000, v0;
	v1 =	vsel vm9, $0x42740000, v1  }
0x29: {  	v2 =	vsel vm12, $0x42E40000, v2;
	v0 =	vsel vm7, $0x42380000, v0;
	v1 =	vsel vm7, $0x42780000, v1  }
0x2a: {  	(erf) = vrcp.f32 v30;
	v0 =	vsel vm11, $0x423C0000, v0;
	v34 =	vsel vm11, $0x427C0000, v1  }
0x2b: {  	v1 =	vsel vm1, $0x42C20000, v39;
	(erf) = vrcp.f32 v0;
	v0 =	vsel vm12, $0x42A40000, v38  }
0x2c: {  	v2 =	vsel vm3, $0x42E60000, v2;
	v1 =	vsel vm12, $0x42C40000, v1;
	v0 =	vsel vm3, $0x42A60000, v0  }
0x2d: {  	v2 =	vsel vm0, $0x42E80000, v2;
	v1 =	vsel vm3, $0x42C60000, v1;
	v0 =	vsel vm0, $0x42A80000, v0  }
0x2e: {  	v2 =	vsel vm2, $0x42EA0000, v2;
	v1 =	vsel vm0, $0x42C80000, v1;
	v0 =	vsel vm2, $0x42AA0000, v0  }
0x2f: {  	v2 =	vsel vm6, $0x42EC0000, v2;
	v1 =	vsel vm2, $0x42CA0000, v1;
	v0 =	vsel vm6, $0x42AC0000, v0  }
0x30: {  	v2 =	vsel vm4, $0x42EE0000, v2;
	v1 =	vsel vm6, $0x42CC0000, v1;
	v0 =	vsel vm4, $0x42AE0000, v0  }
0x31: {  	v2 =	vsel vm8, $0x42F00000, v2;
	v1 =	vsel vm4, $0x42CE0000, v1;
	v0 =	vsel vm8, $0x42B00000, v0  }
0x32: {  	v2 =	vsel vm13, $0x42F20000, v2;
	v1 =	vsel vm8, $0x42D00000, v1;
	v0 =	vsel vm13, $0x42B20000, v0  }
0x33: {  	v2 =	vsel vm14, $0x42F40000, v2;
	v1 =	vsel vm13, $0x42D20000, v1;
	v0 =	vsel vm14, $0x42B40000, v0  }
0x34: {  	v2 =	vsel vm10, $0x42F60000, v2;
	v1 =	vsel vm14, $0x42D40000, v1;
	v0 =	vsel vm10, $0x42B60000, v0  }
0x35: {  	v2 =	vsel vm5, $0x42F80000, v2;
	v1 =	vsel vm10, $0x42D60000, v1;
	v0 =	vsel vm5, $0x42B80000, v0  }
0x36: {  	v2 =	vsel vm9, $0x42FA0000, v2;
	v1 =	vsel vm5, $0x42D80000, v1;
	v0 =	vsel vm9, $0x42BA0000, v0  }
0x37: {  	(erf) = vrcp.f32 v34;
	v1 =	vsel vm9, $0x42DA0000, v1;
	v0 =	vsel vm7, $0x42BC0000, v0  }
0x38: {  	(erf) = vrcp.f32 v36;
	v1 =	vsel vm7, $0x42DC0000, v1;
	v0 =	vsel vm11, $0x42BE0000, v0  }
0x39: {  	v42 =	vsel vm7, $0x42FC0000, v2;
	v41 =	vsel vm11, $0x42DE0000, v1;
	(erf) = vrcp.f32 v0  }
0x3a: {  	v43 =	vsel vm11, $0x42FE0000, v42;
	(erf) = vrcp.f32 v41  }
0x3b: {  	(erf) = vrcp.f32 v43;
	_ =	sdelay $0x1  }
0x3c: {  	v7 =	vpop (erf)  }
0x3d: {  	s6 =	sadd.s32 $0x800, s5;
	s4 =	sshll.u32 s1, $0x4;
	v6 =	vpop (erf)  }
0x3e: {  	s7 =	sadd.s32 $0xA00, s5;
	s6 =	sadd.s32 s6, s4;
	v4 =	vpop (erf)  }
0x3f: {  	[tilespmem:s2], [sflag:$0x1] =	stream.linear.gather [hbm4b:s6+s2], $0x80, $0x38;
	v5 =	vpop (erf);
	[tilespmem:$0x200] =	vst v63  }
0x40: {  	s9 =	sadd.s32 $0xC00, s5;
	s11 =	simm.s32 $0x80;
	s10 =	sadd.s32 s7, s4;
	v3 =	vpop (erf)  }
0x41: {  	[tilespmem:s11], [sflag:$0x1] =	stream.linear.gather [hbm4b:s10+s2], $0x80, $0x38;
	v2 =	vpop (erf);
	[tilespmem:$0x200] =	vst v63  }
0x42: {  	s12 =	simm.s32 $0x100;
	s13 =	simm.s32 $0x1;
	s5 =	sadd.s32 s9, s4;
	v1 =	vpop (erf)  }
0x43: {  	[tilespmem:s12], [sflag:$0x1] =	stream.linear.gather [hbm4b:s5+s2], $0x80, $0x38;
	v0 =	vpop (erf);
	[tilespmem:$0x200] =	vst v63  }
0x44: {  	_ =	swait.ge [sflag:s13], $0x80  }
0x45: {  	[sflag:s13] =	ssyncset.done $0x0  }
0x46: {  	[sflag:s13] =	ssyncadd.s32 $0xFFFFFF80  }
0x47: {  	_ =	swait.ge [sflag:s13], $0x80  }
0x48: {  	[sflag:s13] =	ssyncset.done $0x0  }
0x49: {  	[sflag:s13] =	ssyncadd.s32 $0xFFFFFF80  }
0x4a: {  	_ =	swait.ge [sflag:s13], $0x80  }
0x4b: {  	[sflag:s13] =	ssyncset.done $0x0  }
0x4c: {  	[sflag:s13] =	ssyncadd.s32 $0xFFFFFF80  }
0x4d: {  	v8 =	vld [tilespmem:$0x80]  }
0x4e: {  	v9 =	vimm.f32 $0.0e+00;
	vm12 =	vcmask $0x700  }
0x4f: {  	v10 =	vsel vm12, $0x3F800000, v9  }
0x50: {  	v10 =	vsel vm6, $0x3F800000, v10;
	v11 =	vld [tilespmem:$0x90]  }
0x51: {  	v12 =	vsel vm5, $0x3F800000, v9;
	v10 =	vsel vm8, $0x3F800000, v10  }
0x52: {  	v10 =	vsel vm10, $0x3F800000, v10;
	v12 =	vmul.f32 v12, v8  }
0x53: {  	v47 =	vsel vm6, $0x3F800000, v9;
	vm12 =	vmor vm12, vm6;
	v10 =	vsel vm9, $0x3F800000, v10;
	v45 =	vld [tilespmem:$0xB0]  }
0x54: {  	vm12 =	vmor vm12, vm8;
	v10 =	vsel vm11, $0x3F800000, v10;
	vm13 =	vcmask $0x2B30;
	(xrf2) =	vadd.scan.msk.f32 $0xffff, v12  }
0x55: {  	vm10 =	vmor vm12, vm10;
	v10 =	vmul.f32 v10, v11;
	v44 =	vsel vm13, $0xFF61B1E6, v8  }
0x56: {  	vm15 =	vcmask $0x2F20;
	v48 =	vsel vm8, $0x3F800000, v47;
	vm10 =	vmor vm10, vm9;
	(xrf0) =	vmax.scan.msk.f32 $0xffff, v44  }
0x57: {  	vm10 =	vmor vm10, vm11;
	v14 =	vld [tilespmem:$0xC0];
	v8 =	vsel vm13, $0x7F61B1E6, v8;
	(xrf2) =	vadd.scan.msk.f32 $0xffff, v10;
	v10 =	vsel vm9, $0x40000000, v48  }
0x58: {  	v59 =	vsel vm1, $0x3F800000, v9;
	v46 =	vnsel vm10, $0xFF61B1E6, v11;
	(xrf0) =	vmin.scan.msk.f32 $0xffff, v8;
	v10 =	vmul.f32 v10, v45  }
0x59: {  	v58 =	vsel vm5, $0x3F800000, v47;
	v60 =	vsel vm2, $0x3F800000, v59;
	v54 =	vld [tilespmem:$0xD0];
	vm13 =	vcmask $0x1B14;
	(xrf0) =	vmax.scan.msk.f32 $0xffff, v46  }
0x5a: {  	vm1 =	vmor vm1, vm2;
	vm14 =	vcmask $0x1334;
	v53 =	vsel vm13, $0x3F800000, v9;
	(xrf2) =	vadd.scan.msk.f32 $0xffff, v10  }
0x5b: {  	vm4 =	vmor vm14, vm4;
	v52 =	vnsel vm10, $0x7F61B1E6, v11;
	v11 =	vsel vm7, $0x3F800000, v53  }
0x5c: {  	vm12 =	vcmask $0x3B34;
	vm11 =	vcmask $0x231C;
	v55 =	vmul.f32 v11, v14  }
0x5d: {  	vm14 =	vcmask $0x1330;
	vm4 =	vmor vm4, vm15;
	v61 =	vsel vm11, $0x3F800000, v60;
	v57 =	vld [tilespmem:$0xE0];
	(xrf0) =	vmin.scan.msk.f32 $0xffff, v52;
	v49, _, _ =	vpop (xrf0)  }
0x5e: {  	v56 =	vsel vm4, $0xFF61B1E6, v45;
	vm10 =	vcmask $0x1338;
	v10 =	vmul.f32 v58, v54;
	(xrf2) =	vadd.scan.msk.f32 $0xffff, v55;
	v13, _, _ =	vpop (xrf2)  }
0x5f: {  	vm13 =	vcmask $0x2B18;
	vm9 =	vcmask $0x331C;
	(xrf0) =	vmax.scan.msk.f32 $0xffff, v56;
	v50, _, _ =	vpop (xrf0);
	(v2sf) =	vpush v13, $0xF  }
0x60: {  	v62 =	vld [tilespmem:$0xF0];
	v8 =	vsel vm4, $0x7F61B1E6, v45;
	vm4 =	vmor vm10, vm9;
	(xrf2) =	vadd.scan.msk.f32 $0xffff, v10;
	v15, _, _ =	vpop (xrf0);
	(v2sf) =	vpush v49, $0xF  }
0x61: {  	v63 =	vsel vm4, $0xFF61B1E6, v14;
	(xrf0) =	vmin.scan.msk.f32 $0xffff, v8;
	v8 =	vsel vm12, $0x3F800000, v61;
	v51, _, _ =	vpop (xrf2);
	(v2sf) =	vpush v50, $0xF  }
0x62: {  	v14 =	vsel vm4, $0x7F61B1E6, v14;
	(xrf0) =	vmax.scan.msk.f32 $0xffff, v63;
	v8 =	vmul.f32 v8, v57;
	(v2sf) =	vpush v51, $0xF  }
0x63: {  	v9 =	vsel vm3, $0x3F800000, v9;
	vm4 =	vmor vm14, vm13;
	v16, _, _ =	vpop (xrf0);
	(xrf0) =	vmin.scan.msk.f32 $0xffff, v14;
	(v2sf) =	vpush v15, $0xF  }
0x64: {  	v19 =	vsel vm2, $0x3F800000, v9;
	v18 =	vsel vm4, $0xFF61B1E6, v54;
	(xrf2) =	vadd.scan.msk.f32 $0xffff, v8;
	v17, _, _ =	vpop (xrf2);
	(v2sf) =	vpush v16, $0xF  }
0x65: {  	v21 =	vsel vm4, $0x7F61B1E6, v54;
	v20, _, _ =	vpop (xrf0);
	(xrf0) =	vmax.scan.msk.f32 $0xffff, v18;
	v8 =	vmul.f32 v19, v62;
	(v2sf) =	vpush v17, $0xF  }
0x66: {  	vm1 =	vmor vm1, vm11;
	(xrf0) =	vmin.scan.msk.f32 $0xffff, v21;
	(v2sf) =	vpush v20, $0xF  }
0x67: {  	vm1 =	vmor vm1, vm12;
	(xrf2) =	vadd.scan.msk.f32 $0xffff, v8;
	v22, _, _ =	vpop (xrf0)  }
0x68: {  	v24 =	vnsel vm1, $0xFF61B1E6, v57;
	v23, _, _ =	vpop (xrf2);
	(v2sf) =	vpush v22, $0xF  }
0x69: {  	v26 =	vnsel vm1, $0x7F61B1E6, v57;
	v25, _, _ =	vpop (xrf0);
	(xrf0) =	vmax.scan.msk.f32 $0xffff, v24;
	(v2sf) =	vpush v23, $0xF  }
0x6a: {  	vm15 =	vcmask $0x714;
	v27, _, _ =	vpop (xrf0);
	(xrf0) =	vmin.scan.msk.f32 $0xffff, v26;
	(v2sf) =	vpush v25, $0xF  }
0x6b: {  	vm0 =	vmor vm15, vm0;
	v28, _, _ =	vpop (xrf2);
	(v2sf) =	vpush v27, $0xF  }
0x6c: {  	v30 =	vsel vm0, $0xFF61B1E6, v62;
	v29, _, _ =	vpop (xrf0);
	(v2sf) =	vpush v28, $0xF  }
0x6d: {  	v32 =	vsel vm0, $0x7F61B1E6, v62;
	(xrf0) =	vmax.scan.msk.f32 $0xffff, v30;
	v31, _, _ =	vpop (xrf0);
	(v2sf) =	vpush v29, $0xF  }
0x6e: {  	(xrf0) =	vmin.scan.msk.f32 $0xffff, v32;
	v33, _, _ =	vpop (xrf2);
	s14 =	spop (v2sf);
	(v2sf) =	vpush v31, $0xF  }
0x6f: {  	v34, _, _ =	vpop (xrf0);
	s15 =	spop (v2sf);
	(v2sf) =	vpush v33, $0xF  }
0x70: {  	v35, _, _ =	vpop (xrf0);
	s16 =	spop (v2sf);
	(v2sf) =	vpush v34, $0xF  }
0x71: {  	v36, _, _ =	vpop (xrf2);
	s8 =	spop (v2sf);
	(v2sf) =	vpush v35, $0xF  }
0x72: {  	s9 =	spop (v2sf);
	(v2sf) =	vpush v36, $0xF  }
0x73: {  	v37, _, _ =	vpop (xrf0);
	s10 =	spop (v2sf)  }
0x74: {  	v38, _, _ =	vpop (xrf0);
	s5 =	sadd.f32 $0.0e+00, s14;
	s11 =	spop (v2sf);
	(v2sf) =	vpush v37, $0xF  }
0x75: {  	s6 =	smax.f32 s15, $-3.000000010e+38;
	s17 =	spop (v2sf);
	(v2sf) =	vpush v38, $0xF  }
0x76: {  	s7 =	smin.f32 s16, $3.000000010e+38;
	s5 =	sadd.f32 s8, s5  }
0x77: {  	s6 =	smax.f32 s6, s9;
	s18 =	spop (v2sf)  }
0x78: {  	s7 =	smin.f32 s7, s10;
	s19 =	spop (v2sf)  }
0x79: {  	s5 =	sadd.f32 s11, s5;
	s20 =	spop (v2sf)  }
0x7a: {  	s6 =	smax.f32 s6, s17;
	s21 =	spop (v2sf)  }
0x7b: {  	s7 =	smin.f32 s7, s18;
	s22 =	spop (v2sf)  }
0x7c: {  	s5 =	sadd.f32 s19, s5;
	s23 =	spop (v2sf)  }
0x7d: {  	s6 =	smax.f32 s6, s20;
	s24 =	spop (v2sf)  }
0x7e: {  	s5 =	sadd.f32 s22, s5;
	s25 =	spop (v2sf)  }
0x7f: {  	s7 =	smin.f32 s7, s21;
	s26 =	spop (v2sf)  }
0x80: {  	s5 =	sadd.f32 s25, s5;
	s28 =	spop (v2sf)  }
0x81: {  	s6 =	smax.f32 s6, s23;
	s29 =	spop (v2sf)  }
0x82: {  	s7 =	smin.f32 s7, s24;
	s5 =	sadd.f32 s29, s5  }
0x83: {  	v39 =	vld [tilespmem:$0x0];
	s7 =	smin.f32 s7, s28;
	s30 =	spop (v2sf)  }
0x84: {  	s31 =	spop (v2sf);
	s5 =	smul.f32 $7.812500000e-03, s5  }
0x85: {  	s6 =	smax.f32 s6, s26;
	s7 =	smin.f32 s7, s31  }
0x86: {  	s6 =	smax.f32 s6, s30;
	s7 =	ssub.f32 s7, s5  }
0x87: {  	s5 =	ssub.f32 s6, s5  }
0x88: {  	vm4 =	vge.f32 v39, $0.0e+00;
	v9 =	vmov s7  }
0x89: {  	v40 =	vsel vm4, s5, v9  }
0x8a: {  	v8 =	vmul.f32 v40, v39;
	_ =	sdelay $0x1  }
0x8b: {  	(xrf1) =	vsort.ascd.msk.f32 $0xffff, v8, v8;
	_ =	sdelay $0xa  }
0x8c: {  	v41 =	vlaneseq.u32  }
0x8d: {  	v10 =	vmul.u32 $0xFFFFFFFF, v41;
	_ =	sdelay $0x1  }
0x8e: {  	v43 =	vadd.s32 $0xF, v10;
	v42, _, _ =	vpop (xrf1)  }
0x8f: {  	v10 =	vperm.xlane v42, v43;
	_ =	sdelay $0x1  }
0x90: {  	v11 =	vmax.f32 v10, $-3.000000010e+38  }
0x91: {  	v10 =	vmin.f32 v10, $-3.000000010e+38;
	(xrf1) =	vsort.ascd.msk.f32 $0xffff, v11, v11  }
0x92: {  	(xrf1) =	vsort.ascd.msk.f32 $0xffff, v10, v10;
	_ =	sdelay $0x9  }
0x93: {  	v44 =	vld [tilespmem:$0x10];
	_ =	sdelay $0x2  }
0x94: {  	v45, _, _ =	vpop (xrf1)  }
0x95: {  	v46, _, _ =	vpop (xrf1)  }
0x96: {  	vm5 =	vge.f32 v44, $0.0e+00;
	v47 =	vperm.xlane v46, v43  }
0x97: {  	v48 =	vsel vm5, s5, v9  }
0x98: {  	v11 =	vmul.f32 v48, v44;
	v49 =	vmax.f32 v47, $-3.000000010e+38  }
0x99: {  	(xrf1) =	vsort.ascd.msk.f32 $0xffff, v49, v49  }
0x9a: {  	(xrf1) =	vsort.ascd.msk.f32 $0xffff, v11, v11;
	_ =	sdelay $0xc  }
0x9b: {  	v10, _, _ =	vpop (xrf1)  }
0x9c: {  	v50, _, _ =	vpop (xrf1)  }
0x9d: {  	v14 =	vperm.xlane v50, v43;
	_ =	sdelay $0x1  }
0x9e: {  	v51 =	vmax.f32 v45, v14  }
0x9f: {  	v12 =	vmin.f32 v45, v14;
	(xrf1) =	vsort.ascd.msk.f32 $0xffff, v51, v51  }
0xa0: {  	(xrf1) =	vsort.ascd.msk.f32 $0xffff, v12, v12;
	_ =	sdelay $0x9  }
0xa1: {  	v52 =	vld [tilespmem:$0x20];
	_ =	sdelay $0x2  }
0xa2: {  	v53, _, _ =	vpop (xrf1)  }
0xa3: {  	v54, _, _ =	vpop (xrf1)  }
0xa4: {  	vm6 =	vge.f32 v52, $0.0e+00;
	v15 =	vperm.xlane v54, v43  }
0xa5: {  	v16 =	vsel vm6, s5, v9  }
0xa6: {  	v12 =	vmul.f32 v16, v52;
	v10 =	vmax.f32 v10, v15  }
0xa7: {  	(xrf1) =	vsort.ascd.msk.f32 $0xffff, v10, v10  }
0xa8: {  	(xrf1) =	vsort.ascd.msk.f32 $0xffff, v12, v12;
	_ =	sdelay $0xc  }
0xa9: {  	v10, _, _ =	vpop (xrf1)  }
0xaa: {  	v55, _, _ =	vpop (xrf1)  }
0xab: {  	v15 =	vperm.xlane v55, v43;
	_ =	sdelay $0x1  }
0xac: {  	v56 =	vmax.f32 v53, v15  }
0xad: {  	v14 =	vmin.f32 v53, v15;
	(xrf1) =	vsort.ascd.msk.f32 $0xffff, v56, v56  }
0xae: {  	(xrf1) =	vsort.ascd.msk.f32 $0xffff, v14, v14;
	_ =	sdelay $0x9  }
0xaf: {  	v57 =	vld [tilespmem:$0x30];
	_ =	sdelay $0x2  }
0xb0: {  	v58, _, _ =	vpop (xrf1)  }
0xb1: {  	v59, _, _ =	vpop (xrf1)  }
0xb2: {  	vm7 =	vge.f32 v57, $0.0e+00;
	v16 =	vperm.xlane v59, v43  }
0xb3: {  	v17 =	vsel vm7, s5, v9  }
0xb4: {  	v18 =	vmul.f32 v17, v57;
	v10 =	vmax.f32 v10, v16  }
0xb5: {  	(xrf1) =	vsort.ascd.msk.f32 $0xffff, v10, v10  }
0xb6: {  	(xrf1) =	vsort.ascd.msk.f32 $0xffff, v18, v18;
	_ =	sdelay $0xc  }
0xb7: {  	v10, _, _ =	vpop (xrf1)  }
0xb8: {  	v60, _, _ =	vpop (xrf1)  }
0xb9: {  	v14 =	vperm.xlane v60, v43;
	_ =	sdelay $0x1  }
0xba: {  	v61 =	vmax.f32 v58, v14  }
0xbb: {  	v14 =	vmin.f32 v58, v14;
	(xrf1) =	vsort.ascd.msk.f32 $0xffff, v61, v61  }
0xbc: {  	(xrf1) =	vsort.ascd.msk.f32 $0xffff, v14, v14;
	_ =	sdelay $0x9  }
0xbd: {  	v62 =	vld [tilespmem:$0x40];
	_ =	sdelay $0x2  }
0xbe: {  	v63, _, _ =	vpop (xrf1)  }
0xbf: {  	v21, _, _ =	vpop (xrf1)  }
0xc0: {  	vm8 =	vge.f32 v62, $0.0e+00;
	v16 =	vperm.xlane v21, v43  }
0xc1: {  	v22 =	vsel vm8, s5, v9  }
0xc2: {  	v19 =	vmul.f32 v22, v62;
	v10 =	vmax.f32 v10, v16  }
0xc3: {  	(xrf1) =	vsort.ascd.msk.f32 $0xffff, v10, v10  }
0xc4: {  	(xrf1) =	vsort.ascd.msk.f32 $0xffff, v19, v19;
	_ =	sdelay $0xc  }
0xc5: {  	v10, _, _ =	vpop (xrf1)  }
0xc6: {  	v23, _, _ =	vpop (xrf1)  }
0xc7: {  	v14 =	vperm.xlane v23, v43;
	_ =	sdelay $0x1  }
0xc8: {  	v24 =	vmax.f32 v63, v14  }
0xc9: {  	v14 =	vmin.f32 v63, v14;
	(xrf1) =	vsort.ascd.msk.f32 $0xffff, v24, v24  }
0xca: {  	(xrf1) =	vsort.ascd.msk.f32 $0xffff, v14, v14;
	_ =	sdelay $0x9  }
0xcb: {  	v25 =	vld [tilespmem:$0x50];
	_ =	sdelay $0x2  }
0xcc: {  	v26, _, _ =	vpop (xrf1)  }
0xcd: {  	v27, _, _ =	vpop (xrf1)  }
0xce: {  	vm9 =	vge.f32 v25, $0.0e+00;
	v16 =	vperm.xlane v27, v43  }
0xcf: {  	v28 =	vsel vm9, s5, v9  }
0xd0: {  	v20 =	vmul.f32 v28, v25;
	v10 =	vmax.f32 v10, v16  }
0xd1: {  	(xrf1) =	vsort.ascd.msk.f32 $0xffff, v10, v10  }
0xd2: {  	(xrf1) =	vsort.ascd.msk.f32 $0xffff, v20, v20;
	_ =	sdelay $0xc  }
0xd3: {  	v10, _, _ =	vpop (xrf1)  }
0xd4: {  	v29, _, _ =	vpop (xrf1)  }
0xd5: {  	v14 =	vperm.xlane v29, v43;
	_ =	sdelay $0x1  }
0xd6: {  	v30 =	vmax.f32 v26, v14  }
0xd7: {  	v14 =	vmin.f32 v26, v14;
	(xrf1) =	vsort.ascd.msk.f32 $0xffff, v30, v30  }
0xd8: {  	(xrf1) =	vsort.ascd.msk.f32 $0xffff, v14, v14;
	_ =	sdelay $0x9  }
0xd9: {  	v31 =	vld [tilespmem:$0x60];
	_ =	sdelay $0x2  }
0xda: {  	v32, _, _ =	vpop (xrf1)  }
0xdb: {  	v33, _, _ =	vpop (xrf1)  }
0xdc: {  	vm10 =	vge.f32 v31, $0.0e+00;
	v16 =	vperm.xlane v33, v43  }
0xdd: {  	v34 =	vsel vm10, s5, v9  }
0xde: {  	v21 =	vmul.f32 v34, v31;
	v10 =	vmax.f32 v10, v16  }
0xdf: {  	(xrf1) =	vsort.ascd.msk.f32 $0xffff, v10, v10  }
0xe0: {  	(xrf1) =	vsort.ascd.msk.f32 $0xffff, v21, v21;
	_ =	sdelay $0xc  }
0xe1: {  	v35, _, _ =	vpop (xrf1)  }
0xe2: {  	v36, _, _ =	vpop (xrf1)  }
0xe3: {  	v10 =	vperm.xlane v36, v43;
	_ =	sdelay $0x1  }
0xe4: {  	v37 =	vmax.f32 v32, v10  }
0xe5: {  	v10 =	vmin.f32 v32, v10;
	(xrf1) =	vsort.ascd.msk.f32 $0xffff, v37, v37  }
0xe6: {  	(xrf1) =	vsort.ascd.msk.f32 $0xffff, v10, v10;
	_ =	sdelay $0x9  }
0xe7: {  	v38 =	vld [tilespmem:$0x70];
	_ =	sdelay $0x2  }
0xe8: {  	v39, _, _ =	vpop (xrf1)  }
0xe9: {  	v40, _, _ =	vpop (xrf1)  }
0xea: {  	vm11 =	vge.f32 v38, $0.0e+00;
	v16 =	vperm.xlane v40, v43  }
0xeb: {  	v9 =	vsel vm11, s5, v9  }
0xec: {  	v10 =	vmul.f32 v9, v38;
	v41 =	vmax.f32 v35, v16  }
0xed: {  	(xrf1) =	vsort.ascd.msk.f32 $0xffff, v41, v41  }
0xee: {  	(xrf1) =	vsort.ascd.msk.f32 $0xffff, v10, v10;
	_ =	sdelay $0xc  }
0xef: {  	v9, _, _ =	vpop (xrf1)  }
0xf0: {  	v42, _, _ =	vpop (xrf1)  }
0xf1: {  	v14 =	vperm.xlane v42, v43;
	_ =	sdelay $0x1  }
0xf2: {  	v14 =	vmin.f32 v39, v14  }
0xf3: {  	(xrf1) =	vsort.ascd.msk.f32 $0xffff, v14, v14;
	_ =	sdelay $0xd  }
0xf4: {  	v14, _, _ =	vpop (xrf1)  }
0xf5: {  	v13 =	vperm.xlane v14, v43;
	_ =	sdelay $0x1  }
0xf6: {  	v9 =	vmax.f32 v9, v13  }
0xf7: {  	(xrf1) =	vsort.ascd.msk.f32 $0xffff, v9, v9;
	_ =	sdelay $0xd  }
0xf8: {  	vm12 =	vcmask $0x1B20;
	v9, _, _ =	vpop (xrf1)  }
0xf9: {  	v9 =	vsel vm12, $0xFF61B1E6, v9  }
0xfa: {  	(xrf0) =	vmax.scan.msk.f32 $0xffff, v9;
	_ =	sdelay $0x5  }
0xfb: {  	v9, _, _ =	vpop (xrf0)  }
0xfc: {  	v16 =	vbroadcast v9, $0xF;
	_ =	sdelay $0x1  }
0xfd: {  	v14 =	vimm.s32 $0x0;
	vm8 =	vgt.f32 v8, v16  }
0xfe: {  	vm6 =	vgt.f32 v11, v16;
	v43 =	vsel vm8, $0x3F800000, v14  }
0xff: {  	vm4 =	vgt.f32 v12, v16;
	v44 =	vsel vm6, $0x3F800000, v14;
	(xrf2) =	vadd.scan.msk.f32 $0xffff, v43  }
0x100: {  	vm5 =	vgt.f32 v18, v16;
	v45 =	vsel vm4, $0x3F800000, v14;
	(xrf2) =	vadd.scan.msk.f32 $0xffff, v44  }
0x101: {  	vm3 =	vgt.f32 v19, v16;
	v46 =	vsel vm5, $0x3F800000, v14;
	(xrf2) =	vadd.scan.msk.f32 $0xffff, v45  }
0x102: {  	v17 =	vld [tilespmem:$0x100];
	vm2 =	vgt.f32 v20, v16;
	v47 =	vsel vm3, $0x3F800000, v14;
	(xrf2) =	vadd.scan.msk.f32 $0xffff, v46  }
0x103: {  	vm1 =	vgt.f32 v21, v16;
	v48 =	vsel vm2, $0x3F800000, v14;
	(xrf2) =	vadd.scan.msk.f32 $0xffff, v47  }
0x104: {  	vm0 =	vgt.f32 v10, v16;
	v49 =	vsel vm1, $0x3F800000, v14;
	(xrf2) =	vadd.scan.msk.f32 $0xffff, v48  }
0x105: {  	v15 =	vld [tilespmem:$0x110];
	v50 =	vsel vm0, $0x3F800000, v14;
	(xrf2) =	vadd.scan.msk.f32 $0xffff, v49  }
0x106: {  	vm14 =	veq.f32 v8, v16;
	(xrf2) =	vadd.scan.msk.f32 $0xffff, v50  }
0x107: {  	v9 =	vld [tilespmem:$0x120];
	v22 =	vsel vm14, $0x3F800000, v14;
	(xrf2) =	vadd.scan.msk.f32 $0xffff, v17  }
0x108: {  	(xrf2) =	vadd.scan.msk.f32 $0xffff, v22  }
0x109: {  	v13 =	vld [tilespmem:$0x130];
	vm13 =	veq.f32 v11, v16;
	v51, _, _ =	vpop (xrf2)  }
0x10a: {  	v23 =	vsel vm13, $0x3F800000, v14;
	(xrf2) =	vadd.scan.msk.f32 $0xffff, v15;
	(v2sf) =	vpush v51, $0xF;
	v52, _, _ =	vpop (xrf2)  }
0x10b: {  	vm7 =	veq.f32 v12, v16;
	v8 =	vld [tilespmem:$0x140];
	(xrf2) =	vadd.scan.msk.f32 $0xffff, v23;
	v53, _, _ =	vpop (xrf2)  }
0x10c: {  	v24 =	vsel vm7, $0x3F800000, v14;
	(xrf2) =	vadd.scan.msk.f32 $0xffff, v9;
	(v2sf) =	vpush v52, $0xF;
	v25, _, _ =	vpop (xrf2)  }
0x10d: {  	vm10 =	veq.f32 v18, v16;
	(xrf2) =	vadd.scan.msk.f32 $0xffff, v24;
	v26, _, _ =	vpop (xrf2)  }
0x10e: {  	v27 =	vsel vm10, $0x3F800000, v14;
	(v2sf) =	vpush v53, $0xF;
	(xrf2) =	vadd.scan.msk.f32 $0xffff, v13;
	v54, _, _ =	vpop (xrf2)  }
0x10f: {  	v11 =	vld [tilespmem:$0x150];
	(xrf2) =	vadd.scan.msk.f32 $0xffff, v27;
	v28, _, _ =	vpop (xrf2)  }
0x110: {  	vm12 =	veq.f32 v19, v16;
	(v2sf) =	vpush v25, $0xF;
	(xrf2) =	vadd.scan.msk.f32 $0xffff, v8;
	v55, _, _ =	vpop (xrf2)  }
0x111: {  	v29 =	vsel vm12, $0x3F800000, v14;
	v56, _, _ =	vpop (xrf2)  }
0x112: {  	v12 =	vld [tilespmem:$0x160];
	(v2sf) =	vpush v26, $0xF;
	(xrf2) =	vadd.scan.msk.f32 $0xffff, v29;
	v57, _, _ =	vpop (xrf2)  }
0x113: {  	vm11 =	veq.f32 v20, v16;
	(xrf0) =	vmax.scan.msk.f32 $0xffff, v57  }
0x114: {  	v31 =	vsel vm11, $0x3F800000, v14;
	(v2sf) =	vpush v54, $0xF;
	v30, _, _ =	vpop (xrf2);
	(xrf2) =	vadd.scan.msk.f32 $0xffff, v11  }
0x115: {  	v58, _, _ =	vpop (xrf2);
	(xrf2) =	vadd.scan.msk.f32 $0xffff, v31  }
0x116: {  	vm9 =	veq.f32 v21, v16;
	(v2sf) =	vpush v28, $0xF;
	v59, _, _ =	vpop (xrf2);
	(xrf0) =	vmax.scan.msk.f32 $0xffff, v58  }
0x117: {  	v62 =	vsel vm9, $0x3F800000, v14;
	(xrf2) =	vadd.scan.msk.f32 $0xffff, v12;
	v60, _, _ =	vpop (xrf2)  }
0x118: {  	(v2sf) =	vpush v55, $0xF;
	(xrf2) =	vadd.scan.msk.f32 $0xffff, v62;
	v61, _, _ =	vpop (xrf2)  }
0x119: {  	(xrf0) =	vmax.scan.msk.f32 $0xffff, v60;
	v32, _, _ =	vpop (xrf2);
	s6 =	spop (v2sf)  }
0x11a: {  	v33, _, _ =	vpop (xrf2);
	s5 =	sadd.f32 $0.0e+00, s6  }
0x11b: {  	v34, _, _ =	vpop (xrf0);
	(xrf0) =	vmax.scan.msk.f32 $0xffff, v32;
	s7 =	spop (v2sf)  }
0x11c: {  	(v2sf) =	vpush v56, $0xF;
	v35, _, _ =	vpop (xrf2);
	s5 =	sadd.f32 s5, s7  }
0x11d: {  	s8 =	spop (v2sf);
	v63, _, _ =	vpop (xrf0)  }
0x11e: {  	(v2sf) =	vpush v34, $0xF;
	v36, _, _ =	vpop (xrf2);
	s5 =	sadd.f32 s5, s8  }
0x11f: {  	(v2sf) =	vpush v30, $0xF;
	s9 =	spop (v2sf);
	v40, _, _ =	vpop (xrf0)  }
0x120: {  	(xrf0) =	vmax.scan.msk.f32 $0xffff, v35;
	(v2sf) =	vpush v63, $0xF;
	v37, _, _ =	vpop (xrf2);
	s5 =	sadd.f32 s5, s9  }
0x121: {  	(v2sf) =	vpush v59, $0xF;
	s10 =	spop (v2sf);
	v41, _, _ =	vpop (xrf0)  }
0x122: {  	(v2sf) =	vpush v40, $0xF;
	(xrf0) =	vmax.scan.msk.f32 $0xffff, v37;
	v42, _, _ =	vpop (xrf2);
	s5 =	sadd.f32 s5, s10  }
0x123: {  	s11 =	spop (v2sf);
	(v2sf) =	vpush v61, $0xF;
	v38, _, _ =	vpop (xrf2)  }
0x124: {  	(v2sf) =	vpush v41, $0xF;
	(xrf0) =	vmax.scan.msk.f32 $0xffff, v38;
	s5 =	sadd.f32 s5, s11  }
0x125: {  	s12 =	spop (v2sf)  }
0x126: {  	v39, _, _ =	vpop (xrf0);
	(v2sf) =	vpush v33, $0xF;
	s5 =	sadd.f32 s5, s12  }
0x127: {  	s13 =	spop (v2sf);
	(v2sf) =	vpush v39, $0xF  }
0x128: {  	(v2sf) =	vpush v36, $0xF;
	v43, _, _ =	vpop (xrf0);
	s5 =	sadd.f32 s5, s13  }
0x129: {  	(v2sf) =	vpush v43, $0xF  }
0x12a: {  	v45 =	vld [tilespmem:$0x170];
	v22 =	vsub.f32 v57, v22;
	(v2sf) =	vpush v42, $0xF;
	v44, _, _ =	vpop (xrf0);
	s5 =	ssub.f32 $2.500000000e+01, s5  }
0x12b: {  	s14 =	spop (v2sf);
	(v2sf) =	vpush v44, $0xF  }
0x12c: {  	v19 =	vadd.f32 $0.0e+00, v56;
	vm15 =	vlt.f32 v22, s5  }
0x12d: {  	v18 =	vsub.f32 v58, v23;
	v46 =	vsub.f32 v60, v24;
	s6 =	sadd.f32 $0.0e+00, s14;
	s15 =	spop (v2sf);
	vm14 =	vmand vm14, vm15  }
0x12e: {  	v50 =	vsub.f32 v32, v27;
	s16 =	spop (v2sf);
	s7 =	sadd.f32 $0.0e+00, s15;
	vm14 =	vmor vm8, vm14;
	vm8 =	veq.f32 v10, v16  }
0x12f: {  	v51 =	vsub.f32 v35, v29;
	(xrf2) =	vadd.scan.msk.f32 $0xffff, v45;
	v54 =	vsub.f32 v37, v31;
	s17 =	spop (v2sf);
	s8 =	sadd.f32 s16, s6;
	v14 =	vsel vm8, $0x3F800000, v14  }
0x130: {  	v7 =	vmul.f32 v19, v7;
	v48 =	vadd.f32 s6, v30;
	s18 =	spop (v2sf);
	s9 =	sadd.f32 s7, s17;
	v47 =	vadd.f32 s7, v18;
	(xrf2) =	vadd.scan.msk.f32 $0xffff, v14  }
0x131: {  	v56 =	vsub.f32 v38, v62;
	s19 =	spop (v2sf);
	v49 =	vadd.f32 s8, v59;
	s8 =	sadd.f32 s18, s8  }
0x132: {  	v6 =	vmul.f32 v48, v6;
	s20 =	spop (v2sf);
	s7 =	sadd.f32 s9, s19;
	v7 =	vsel vm14, v7, v17;
	vm14 =	vlt.f32 v47, s5  }
0x133: {  	v10 =	vadd.f32 s9, v46;
	s21 =	spop (v2sf);
	v52 =	vadd.f32 s8, v61;
	s6 =	sadd.f32 s20, s8;
	vm13 =	vmand vm13, vm14  }
0x134: {  	v4 =	vmul.f32 v49, v4;
	s9 =	sadd.f32 s7, s21;
	v16 =	vadd.f32 s7, v50;
	vm6 =	vmor vm6, vm13  }
0x135: {  	s22 =	spop (v2sf);
	v5 =	vmul.f32 v52, v5;
	v55 =	vadd.f32 s6, v33;
	v6 =	vsel vm6, v6, v15  }
0x136: {  	s23 =	spop (v2sf);
	s6 =	sadd.f32 s22, s6;
	vm6 =	vlt.f32 v10, s5;
	v53 =	vadd.f32 s9, v51;
	vm13 =	vlt.f32 v16, s5  }
0x137: {  	s8 =	sadd.f32 s9, s23;
	s24 =	spop (v2sf);
	vm6 =	vmand vm7, vm6;
	vm13 =	vmand vm10, vm13;
	v3 =	vmul.f32 v55, v3  }
0x138: {  	s9 =	sadd.f32 s24, s6;
	v58 =	vadd.f32 s6, v36;
	vm14 =	vlt.f32 v53, s5;
	vm4 =	vmor vm4, vm6;
	s25 =	spop (v2sf)  }
0x139: {  	v57, _, _ =	vpop (xrf2);
	vm5 =	vmor vm5, vm13;
	v10 =	vadd.f32 s8, v54;
	v4 =	vsel vm4, v4, v9;
	s7 =	sadd.f32 s8, s25;
	s26 =	spop (v2sf)  }
0x13a: {  	v5 =	vsel vm5, v5, v13;
	vm15 =	vmand vm12, vm14;
	v61 =	vadd.f32 s9, v42;
	s28 =	spop (v2sf);
	v60, _, _ =	vpop (xrf2)  }
0x13b: {  	v2 =	vmul.f32 v58, v2;
	vm10 =	vlt.f32 v10, s5;
	s6 =	sadd.f32 s7, s28;
	v14 =	vsub.f32 v60, v14  }
0x13c: {  	[tilespmem:$0x180] =	vst v7;
	vm3 =	vmor vm3, vm15;
	s29 =	sadd.f32 s26, s9;
	vm12 =	vmand vm11, vm10;
	v59 =	vadd.f32 s7, v56  }
0x13d: {  	[tilespmem:$0x190] =	vst v6;
	v3 =	vsel vm3, v3, v8;
	v1 =	vmul.f32 v61, v1;
	v62 =	vadd.f32 s6, v14  }
0x13e: {  	[tilespmem:$0x1A0] =	vst v4;
	vm2 =	vmor vm2, vm12;
	v63 =	vadd.f32 s29, v57;
	vm13 =	vlt.f32 v59, s5  }
0x13f: {  	[tilespmem:$0x1B0] =	vst v5;
	v2 =	vsel vm2, v2, v11;
	vm2 =	vmand vm9, vm13;
	vm14 =	vlt.f32 v62, s5  }
0x140: {  	[tilespmem:$0x1C0] =	vst v3;
	v0 =	vmul.f32 v63, v0;
	vm1 =	vmor vm1, vm2;
	vm15 =	vmand vm8, vm14  }
0x141: {  	[tilespmem:$0x1D0] =	vst v2;
	v1 =	vsel vm1, v1, v12;
	vm0 =	vmor vm0, vm15  }
0x142: {  	[tilespmem:$0x1E0] =	vst v1;
	v0 =	vsel vm0, v0, v45  }
0x143: {  	s3 =	sadd.s32 s3, s4;
	s30 =	simm.s32 $0x180;
	s31 =	simm.s32 $0x2;
	[tilespmem:$0x1F0] =	vst v0  }
0x144: {  	[hbm4b:s3+s2] =	stream.linear.scatter [tilespmem:s30], [sflag:$0x2], $0x80, $0x38;
	[tilespmem:$0x200] =	vst v63  }
0x145: {  	_ =	swait.ge [sflag:s31], $0x80  }
0x146: {  	[sflag:s31] =	ssyncset.done $0x0  }
0x147: {  	[sflag:s31] =	ssyncadd.s32 $0xFFFFFF80  }
.LBB2_2:
0x148: {  	_ =	sfence.sel $0x180000  }
0x149: {  	[bflag:$0x0] =	sbarrier.arrive $0xFFFF  }
0x14a: {  	p0 =	sne.s32 s1, $0x0;
	_ =	strace $0x90000047  }
0x14b: {  	s0 =	sadd.s32 @!p0 $0x100000, s0;
	[bflag:$0x2] =	sbarrier.arrive $0xFFFF  }
0x14c: {  	[sflag:s0] =	ssyncadd.tile.s32 @!p0 $0x1;
	_ =	shalt  }
.Lfunc_end2:
_tile_overlayer_lowered:
.L_overlay_start_2:
0x14d: {  	(tag) =	ssettag $0x2  }
0x14e: {  	s0 =	rddreg [dreg:$0x0];
	s2 =	stileid.u32  }
0x14f: {  	s1 =	rddreg [dreg:$0x1];
	p0 =	sne.s32 s2, $0x0  }
0x150: {  	s3 =	rddreg [dreg:$0x2];
	[bflag:$0x3] =	sbarrier.arrive $0xFFFF;
	s2 =	simm.s32 @!p0 $0x1C02  }
0x151: {  	[timem:s3], [sflag:s2] =	dma.local @!p0 [hbm:s0], s1  }
0x152: {  	s0 =	simm.s32 @!p0 $0x2  }
0x153: {  	_ =	swait.ge @!p0 [sflag:s0], s1  }
0x154: {  	s1 =	ssub.s32 @!p0 $0x0, s1;
	[sflag:s0] =	ssyncset.done @!p0 $0x0  }
0x155: {  	[sflag:s0] =	ssyncadd.s32 @!p0 s1  }
0x156: {  	[bflag:$0x3] =	sbarrier.arrive $0xFFFF  }
0x157: {  	_ =	shalt  }

</sc_bundles>
